<compile_context>
chip_gen: v7x
topology: tpu7x:2x2x1
jax: 0.10.2.dev20260603
libtpu: 0.0.44.dev20260713+nightly
codegen_flags: <defaults>
</compile_context>

<pallas_src>
import functools

import jax
import jax.numpy as jnp
from jax import lax
from jax.experimental import pallas as pl
from jax.experimental.pallas import tpu as pltpu
from jax.experimental.pallas import tpu_sc as plsc

_NT_PAD = 112
_F = 128
_FPACK = 640


def _pad_row(v, width):
    return jnp.pad(v, ((0, 0), (0, width - v.shape[1])))


def _tc_body(x_ref, pbt_ref, tbt_ref, tl_ref, tl2_ref,
             f_ref, i_ref, *, B, Q, C, NT):
    x = x_ref[0]
    pbt = pbt_ref[0]
    tbt = tbt_ref[0]
    tlr = tl_ref[0]
    tl2 = tl2_ref[0]

    dist = jnp.zeros((Q, NT), jnp.float32)
    for k in range(4):
        pq = pbt[k, :].reshape(Q, 1)
        tt = tbt[k, :].reshape(1, NT)
        dist = dist + jnp.abs(pq - tt)

    minval = jnp.min(dist, axis=0, keepdims=True)
    iq2 = jax.lax.broadcasted_iota(jnp.int32, (Q, NT), 0)
    closest = jnp.min(jnp.where(dist == minval, iq2, Q), axis=0,
                      keepdims=True)

    it = jax.lax.broadcasted_iota(jnp.int32, (Q, NT), 1)
    match = closest == iq2
    lastt = jnp.max(jnp.where(match, it, -1), axis=1, keepdims=True)
    validm = jnp.logical_and(match, lastt == it)
    valid = jnp.sum(jnp.where(validm, 1.0, 0.0), axis=0, keepdims=True)

    s = jnp.sum(jnp.exp(x), axis=1, keepdims=True)
    lse = jnp.log(s)
    x0 = x[:, 0:1]
    S_lse = jnp.sum(lse)
    S_x0 = jnp.sum(x0)

    mf = jnp.where(match, 1.0, 0.0)
    lse_t = jnp.sum(mf * lse, axis=0, keepdims=True)
    x0_t = jnp.sum(mf * x0, axis=0, keepdims=True)

    ic = jax.lax.broadcasted_iota(jnp.int32, (NT, C), 1)
    L = jnp.where(ic == tl2, 1.0, 0.0)
    P = jax.lax.dot_general(x, L, (((1,), (1,)), ((), ())),
                            preferred_element_type=jnp.float32)
    at = jnp.sum(mf * P, axis=0, keepdims=True)

    bbox = jnp.sum(minval) / (NT * 4)
    cl = jax.lax.broadcasted_iota(jnp.int32, (1, _F), 1)
    scal = (jnp.where(cl == 0, S_lse, 0.0) + jnp.where(cl == 1, S_x0, 0.0)
            + jnp.where(cl == 2, bbox, 0.0))
    frow = jnp.concatenate(
        [_pad_row(at, _F), _pad_row(valid, _F), _pad_row(lse_t, _F),
         _pad_row(x0_t, _F), scal], axis=1)
    b = pl.program_id(0)
    f_ref[pl.ds(b, 1)] = frow
    i_ref[pl.ds(b, 1)] = _pad_row(tlr, _NT_PAD)


def _lanes16():
    return jax.lax.broadcasted_iota(jnp.int32, (16,), 0)


def _gather16(v, idx):
    dnums = lax.GatherDimensionNumbers(
        offset_dims=(), collapsed_slice_dims=(0,), start_index_map=(0,))
    return lax.gather(v, idx[:, None], dnums, (1,),
                      mode=lax.GatherScatterMode.PROMISE_IN_BOUNDS)


def _sum_all_lanes(v):
    lanes = _lanes16()
    for sh in (1, 2, 4, 8):
        v = v + _gather16(v, lanes ^ sh)
    return v


def _bcast_lane(v, b):
    return _gather16(v, jnp.zeros((16,), jnp.int32) + b)


def _sc_body(ew_hbm, f_hbm, i_hbm, out1_hbm, out2_hbm,
             il_v, vf, vew, row_v, acc_v, sem, *, B, Q):
    c = lax.axis_index("c")
    s = lax.axis_index("s")
    nchunk = _NT_PAD // 16

    @pl.when(c == 0)
    def _():
        b = s
        pltpu.sync_copy(i_hbm.at[b], il_v)
        cp = pltpu.async_copy(ew_hbm.at[il_v], vew, sem)
        pltpu.sync_copy(f_hbm.at[b], vf)
        cp.wait()
        ew0 = _bcast_lane(vew[pl.ds(_NT_PAD - 16, 16)], 15)

        a1 = jnp.zeros((16,), jnp.float32)
        a2 = jnp.zeros((16,), jnp.float32)
        ad = jnp.zeros((16,), jnp.float32)
        for k in range(nchunk):
            av = vf[pl.ds(k * 16, 16)]
            vv = vf[pl.ds(_F + k * 16, 16)]
            ls = vf[pl.ds(2 * _F + k * 16, 16)]
            x0 = vf[pl.ds(3 * _F + k * 16, 16)]
            ewt = vew[pl.ds(k * 16, 16)]
            a1 = a1 + vv * ewt * (ls - av)
            a2 = a2 + vv * (ls - x0)
            ad = ad + vv * (ewt - ew0)
        r1 = _sum_all_lanes(a1)
        r2 = _sum_all_lanes(a2)
        rd = _sum_all_lanes(ad)
        corr = r1 - ew0 * r2
        sc_chunk = vf[pl.ds(4 * _F, 16)]
        slb = _bcast_lane(sc_chunk, 0)
        sxb = _bcast_lane(sc_chunk, 1)
        bbb = _bcast_lane(sc_chunk, 2)
        ce = (ew0 * (slb - sxb) + corr) / (Q * ew0 + rd)
        row_v[...] = (2.0 * ce + 5.0 * bbb) * (1.0 / B)
        pltpu.sync_copy(row_v, out1_hbm.at[b])

    plsc.subcore_barrier()

    @pl.when(jnp.logical_and(c == 0, s == 0))
    def _():
        pltpu.sync_copy(out1_hbm, acc_v)
        tot = jnp.zeros((16,), jnp.float32)
        for bb in range(B):
            tot = tot + acc_v[bb, pl.ds(0, 16)]
        lanes = jax.lax.broadcasted_iota(jnp.int32, (16,), 0)
        row_v[...] = jnp.where(lanes == 0, tot, 0.0)
        pltpu.sync_copy(row_v, out2_hbm)


def kernel(pred_logits, pred_boxes, target_boxes, target_labels, empty_weight):
    B, Q, C = pred_logits.shape
    NT = target_boxes.shape[1]
    pbt = pred_boxes.transpose(0, 2, 1)
    tbt = target_boxes.transpose(0, 2, 1)
    tl = target_labels.astype(jnp.int32).reshape(B, 1, NT)
    tl2 = target_labels.astype(jnp.int32).reshape(B, NT, 1)

    i32 = jnp.int32
    f32 = jnp.float32
    fpack, ipack = pl.pallas_call(
        functools.partial(_tc_body, B=B, Q=Q, C=C, NT=NT),
        grid=(B,),
        in_specs=[
            pl.BlockSpec((1, Q, C), lambda j: (j, 0, 0)),
            pl.BlockSpec((1, 4, Q), lambda j: (j, 0, 0)),
            pl.BlockSpec((1, 4, NT), lambda j: (j, 0, 0)),
            pl.BlockSpec((1, 1, NT), lambda j: (j, 0, 0)),
            pl.BlockSpec((1, NT, 1), lambda j: (j, 0, 0)),
        ],
        out_specs=[
            pl.BlockSpec((B, _FPACK), lambda j: (0, 0)),
            pl.BlockSpec((B, _NT_PAD), lambda j: (0, 0)),
        ],
        out_shape=[
            jax.ShapeDtypeStruct((B, _FPACK), f32),
            jax.ShapeDtypeStruct((B, _NT_PAD), i32),
        ],
    )(pred_logits, pbt, tbt, tl, tl2)

    mesh = plsc.VectorSubcoreMesh(core_axis_name="c", subcore_axis_name="s")
    sc = functools.partial(
        pl.kernel,
        mesh=mesh,
        out_type=(
            jax.ShapeDtypeStruct((B, 16), f32),
            jax.ShapeDtypeStruct((16,), f32),
        ),
        scratch_types=[
            pltpu.VMEM((_NT_PAD,), i32),
            pltpu.VMEM((_FPACK,), f32),
            pltpu.VMEM((_NT_PAD,), f32),
            pltpu.VMEM((16,), f32),
            pltpu.VMEM((B, 16), f32),
            pltpu.SemaphoreType.DMA,
        ],
    )(functools.partial(_sc_body, B=B, Q=Q))

    _, out2 = sc(empty_weight, fpack, ipack)
    return out2[0]

# --- scband reference (transcript-rebuilt; emitter-appended) ---
"""Pipeline reference for scband-dino-v2-loss-21191368638714 (READ-ONLY COPY).

The authoritative reference and input builder live on the scoring server;
editing this copy changes nothing except your own understanding.
"""

import jax, jax.numpy as jnp
import numpy as np

B, Q, C, NT = 16, 900, 1000, 100


def setup_inputs(seed: int = 0) -> dict:
    key = jax.random.key(seed)
    k1, k2, k3, k4 = jax.random.split(key, 4)
    pred_logits = jax.random.normal(k1, (B, Q, C), dtype=jnp.float32)
    pred_boxes = jax.random.uniform(k2, (B, Q, 4), dtype=jnp.float32)
    target_boxes = jax.random.uniform(k3, (B, NT, 4), dtype=jnp.float32)
    target_labels = jax.random.randint(k4, (B, NT), 0, C).astype(jnp.int64)
    empty_weight = jnp.ones((C,), dtype=jnp.float32).at[0].set(0.1)
    return {
        "pred_logits": pred_logits,
        "pred_boxes": pred_boxes,
        "target_boxes": target_boxes,
        "target_labels": target_labels,
        "empty_weight": empty_weight,
    }


def _weighted_ce(logits, targets, weight):
    # F.cross_entropy with per-class weight: sum(w[t]*nll) / sum(w[t])
    logp = jax.nn.log_softmax(logits, axis=-1)
    nll = -jnp.take_along_axis(logp, targets[:, None], axis=1)[:, 0]
    w = jnp.take(weight, targets)
    return jnp.sum(w * nll) / jnp.sum(w)


def reference(pred_logits, pred_boxes, target_boxes, target_labels, empty_weight):
    Bn, Qn, Cn = pred_logits.shape
    w_ce = 2.0
    w_bbox = 5.0
    total = jnp.float32(0.0)
    for b in range(Bn):
        # cdist p=1: [Q, NT]
        dist = jnp.sum(jnp.abs(pred_boxes[b][:, None, :] - target_boxes[b][None, :, :]), axis=-1)
        closest = jnp.argmin(dist, axis=0)  # [NT] indices into Q
        tl = target_labels[b].astype(jnp.int32)
        class_targets = jnp.zeros((Qn,), dtype=jnp.int32).at[closest].set(tl)
        loss_ce = _weighted_ce(pred_logits[b], class_targets, empty_weight)
        matched = pred_boxes[b][closest]  # gather [NT, 4]
        loss_bbox = jnp.mean(jnp.abs(matched - target_boxes[b]))
        total = total + loss_ce * w_ce + loss_bbox * w_bbox
    return total / Bn

if __name__ == "__main__":
    import jax
    _d = setup_inputs()
    print(jax.jit(kernel)(*tuple(_d.values())))

</pallas_src>

<mosaic_0001>
#map = affine_map<(d0, d1) -> (0)>
#map1 = affine_map<(d0, d1) -> (0, 0)>
module attributes {stable_mosaic.version = 14 : i64} {
  func.func @_sc_body(%arg0: i32, %arg1: i32, %arg2: memref<1000xf32, #tpu.memory_space<hbm>>, %arg3: memref<16x640xf32, #tpu.memory_space<hbm>>, %arg4: memref<16x112xi32, #tpu.memory_space<hbm>>, %arg5: memref<16x16xf32, #tpu.memory_space<hbm>>, %arg6: memref<16xf32, #tpu.memory_space<hbm>>, %arg7: memref<112xi32, #tpu.memory_space<vmem>>, %arg8: memref<640xf32, #tpu.memory_space<vmem>>, %arg9: memref<112xf32, #tpu.memory_space<vmem>>, %arg10: memref<16xf32, #tpu.memory_space<vmem>>, %arg11: memref<16x16xf32, #tpu.memory_space<vmem>>, %arg12: memref<!tpu.dma_semaphore, #tpu.memory_space<semaphore_mem>>) attributes {dimension_semantics = [#tpu.dimension_semantics<core_parallel>, #tpu.dimension_semantics<subcore_parallel>], iteration_bounds = array<i64: 2, 16>, scalar_prefetch = 0 : i64, scratch_operands = 6 : i64, tpu.core_type = #tpu.core_type<sc_vector_subcore>, window_params = [{transform_indices = #map}, {transform_indices = #map1}, {transform_indices = #map1}, {transform_indices = #map1}, {transform_indices = #map}]} {
    %eq3A = arith.constant 0 : i32
    %eq3A_0 = arith.cmpi eq, %arg0, %eq3A : i32
    %convert_element_type3A = arith.extui %eq3A_0 : i1 to i32
    %cond3A = arith.constant 0 : i32
    %cond3A_1 = arith.cmpi ne, %convert_element_type3A, %cond3A : i32
    scf.if %cond3A_1 {
      "tpu.region"() ({
        %run_scoped3A = tpu.sem_alloc : memref<!tpu.dma_semaphore, #tpu.memory_space<semaphore_mem>>
        %dma_start3A_331 = arith.constant 0 : i32
        %dma_start3A_332 = tpu.memref_slice %arg4[%arg1, %dma_start3A_331] : memref<16x112xi32, #tpu.memory_space<hbm>> -> memref<1x112xi32, #tpu.memory_space<hbm>>
        %dma_start3A_333 = tpu.memref_squeeze %dma_start3A_332 : memref<1x112xi32, #tpu.memory_space<hbm>> -> memref<112xi32, #tpu.memory_space<hbm>>
        %dma_start3A_334 = arith.constant 0 : i32
        %dma_start3A_335 = tpu.memref_slice %arg4[%arg1, %dma_start3A_334] : memref<16x112xi32, #tpu.memory_space<hbm>> -> memref<1x112xi32, #tpu.memory_space<hbm>>
        %dma_start3A_336 = tpu.memref_squeeze %dma_start3A_335 : memref<1x112xi32, #tpu.memory_space<hbm>> -> memref<112xi32, #tpu.memory_space<hbm>>
        tpu.enqueue_dma source(%dma_start3A_336 : memref<112xi32, #tpu.memory_space<hbm>>) target(%arg7 : memref<112xi32, #tpu.memory_space<vmem>>) target_semaphore(%run_scoped3A : memref<!tpu.dma_semaphore, #tpu.memory_space<semaphore_mem>>)
        %dma_wait3A_337 = arith.constant 0 : i32
        %dma_wait3A_338 = tpu.memref_slice %arg4[%arg1, %dma_wait3A_337] : memref<16x112xi32, #tpu.memory_space<hbm>> -> memref<1x112xi32, #tpu.memory_space<hbm>>
        %dma_wait3A_339 = tpu.memref_squeeze %dma_wait3A_338 : memref<1x112xi32, #tpu.memory_space<hbm>> -> memref<112xi32, #tpu.memory_space<hbm>>
        %dma_wait3A_340 = arith.constant 0 : i32
        %dma_wait3A_341 = tpu.memref_slice %arg4[%arg1, %dma_wait3A_340] : memref<16x112xi32, #tpu.memory_space<hbm>> -> memref<1x112xi32, #tpu.memory_space<hbm>>
        %dma_wait3A_342 = tpu.memref_squeeze %dma_wait3A_341 : memref<1x112xi32, #tpu.memory_space<hbm>> -> memref<112xi32, #tpu.memory_space<hbm>>
        tpu.wait_dma2 semaphore(%run_scoped3A : memref<!tpu.dma_semaphore, #tpu.memory_space<semaphore_mem>>) src(%dma_wait3A_342 : memref<112xi32, #tpu.memory_space<hbm>>) dst(%arg7 : memref<112xi32, #tpu.memory_space<vmem>>)
        tpu.yield
      }) : () -> ()
      %dma_start3A = arith.constant 0 : i32
      %dma_start3A_9 = tpu.memref_slice %arg2[%dma_start3A] : memref<1000xf32, #tpu.memory_space<hbm>> -> memref<1000xf32, #tpu.memory_space<hbm>>
      tpu.enqueue_indirect_dma source(%dma_start3A_9 : memref<1000xf32, #tpu.memory_space<hbm>>) target(%arg9 : memref<112xf32, #tpu.memory_space<vmem>>) offsets(%arg7 : memref<112xi32, #tpu.memory_space<vmem>>) semaphore(%arg12 : memref<!tpu.dma_semaphore, #tpu.memory_space<semaphore_mem>>)
      "tpu.region"() ({
        %run_scoped3A = tpu.sem_alloc : memref<!tpu.dma_semaphore, #tpu.memory_space<semaphore_mem>>
        %dma_start3A_331 = arith.constant 0 : i32
        %dma_start3A_332 = tpu.memref_slice %arg3[%arg1, %dma_start3A_331] : memref<16x640xf32, #tpu.memory_space<hbm>> -> memref<1x640xf32, #tpu.memory_space<hbm>>
        %dma_start3A_333 = tpu.memref_squeeze %dma_start3A_332 : memref<1x640xf32, #tpu.memory_space<hbm>> -> memref<640xf32, #tpu.memory_space<hbm>>
        %dma_start3A_334 = arith.constant 0 : i32
        %dma_start3A_335 = tpu.memref_slice %arg3[%arg1, %dma_start3A_334] : memref<16x640xf32, #tpu.memory_space<hbm>> -> memref<1x640xf32, #tpu.memory_space<hbm>>
        %dma_start3A_336 = tpu.memref_squeeze %dma_start3A_335 : memref<1x640xf32, #tpu.memory_space<hbm>> -> memref<640xf32, #tpu.memory_space<hbm>>
        tpu.enqueue_dma source(%dma_start3A_336 : memref<640xf32, #tpu.memory_space<hbm>>) target(%arg8 : memref<640xf32, #tpu.memory_space<vmem>>) target_semaphore(%run_scoped3A : memref<!tpu.dma_semaphore, #tpu.memory_space<semaphore_mem>>)
        %dma_wait3A_337 = arith.constant 0 : i32
        %dma_wait3A_338 = tpu.memref_slice %arg3[%arg1, %dma_wait3A_337] : memref<16x640xf32, #tpu.memory_space<hbm>> -> memref<1x640xf32, #tpu.memory_space<hbm>>
        %dma_wait3A_339 = tpu.memref_squeeze %dma_wait3A_338 : memref<1x640xf32, #tpu.memory_space<hbm>> -> memref<640xf32, #tpu.memory_space<hbm>>
        %dma_wait3A_340 = arith.constant 0 : i32
        %dma_wait3A_341 = tpu.memref_slice %arg3[%arg1, %dma_wait3A_340] : memref<16x640xf32, #tpu.memory_space<hbm>> -> memref<1x640xf32, #tpu.memory_space<hbm>>
        %dma_wait3A_342 = tpu.memref_squeeze %dma_wait3A_341 : memref<1x640xf32, #tpu.memory_space<hbm>> -> memref<640xf32, #tpu.memory_space<hbm>>
        tpu.wait_dma2 semaphore(%run_scoped3A : memref<!tpu.dma_semaphore, #tpu.memory_space<semaphore_mem>>) src(%dma_wait3A_342 : memref<640xf32, #tpu.memory_space<hbm>>) dst(%arg8 : memref<640xf32, #tpu.memory_space<vmem>>)
        tpu.yield
      }) : () -> ()
      %dma_wait3A = arith.constant 0 : i32
      %dma_wait3A_10 = tpu.memref_slice %arg2[%dma_wait3A] : memref<1000xf32, #tpu.memory_space<hbm>> -> memref<1000xf32, #tpu.memory_space<hbm>>
      tpu.wait_indirect_dma semaphore(%arg12 : memref<!tpu.dma_semaphore, #tpu.memory_space<semaphore_mem>>) src(%dma_wait3A_10 : memref<1000xf32, #tpu.memory_space<hbm>>) dst(%arg9 : memref<112xf32, #tpu.memory_space<vmem>>)
      %get3A = arith.constant 96 : index
      %get3A_11 = tpu.vector_load %arg9[%get3A] {strides = array<i32>} : memref<112xf32, #tpu.memory_space<vmem>>, vector<16xf32>,
      %get3A_12 = vector.shape_cast %get3A_11 : vector<16xf32> to vector<16xf32>
      %broadcast_in_dim3A = arith.constant 0 : i32
      %broadcast_in_dim3A_13 = vector.broadcast %broadcast_in_dim3A : i32 to vector<16xi32>
      %add3A = arith.constant 15 : i32
      %add3A_14 = vector.broadcast %add3A : i32 to vector<16xi32>
      %add3A_15 = arith.addi %broadcast_in_dim3A_13, %add3A_14 : vector<16xi32>
      %broadcast_in_dim3A_16 = vector.shape_cast %add3A_15 : vector<16xi32> to vector<16x1xi32>
      %gather3A = vector.shape_cast %broadcast_in_dim3A_16 : vector<16x1xi32> to vector<16xi32>
      %gather3A_17 = tpu.dynamic_gather %get3A_12[%gather3A] in [0] : vector<16xf32>, vector<16xi32> -> vector<16xf32>
      %broadcast_in_dim3A_18 = arith.constant 0.000000e+00 : f32
      %broadcast_in_dim3A_19 = vector.broadcast %broadcast_in_dim3A_18 : f32 to vector<16xf32>
      %broadcast_in_dim3A_20 = arith.constant 0.000000e+00 : f32
      %broadcast_in_dim3A_21 = vector.broadcast %broadcast_in_dim3A_20 : f32 to vector<16xf32>
      %broadcast_in_dim3A_22 = arith.constant 0.000000e+00 : f32
      %broadcast_in_dim3A_23 = vector.broadcast %broadcast_in_dim3A_22 : f32 to vector<16xf32>
      %get3A_24 = arith.constant 0 : index
      %get3A_25 = tpu.vector_load %arg8[%get3A_24] {strides = array<i32>} : memref<640xf32, #tpu.memory_space<vmem>>, vector<16xf32>,
      %get3A_26 = vector.shape_cast %get3A_25 : vector<16xf32> to vector<16xf32>
      %get3A_27 = arith.constant 128 : index
      %get3A_28 = tpu.vector_load %arg8[%get3A_27] {strides = array<i32>} : memref<640xf32, #tpu.memory_space<vmem>>, vector<16xf32>,
      %get3A_29 = vector.shape_cast %get3A_28 : vector<16xf32> to vector<16xf32>
      %get3A_30 = arith.constant 256 : index
      %get3A_31 = tpu.vector_load %arg8[%get3A_30] {strides = array<i32>} : memref<640xf32, #tpu.memory_space<vmem>>, vector<16xf32>,
      %get3A_32 = vector.shape_cast %get3A_31 : vector<16xf32> to vector<16xf32>
      %get3A_33 = arith.constant 384 : index
      %get3A_34 = tpu.vector_load %arg8[%get3A_33] {strides = array<i32>} : memref<640xf32, #tpu.memory_space<vmem>>, vector<16xf32>,
      %get3A_35 = vector.shape_cast %get3A_34 : vector<16xf32> to vector<16xf32>
      %get3A_36 = arith.constant 0 : index
      %get3A_37 = tpu.vector_load %arg9[%get3A_36] {strides = array<i32>} : memref<112xf32, #tpu.memory_space<vmem>>, vector<16xf32>,
      %get3A_38 = vector.shape_cast %get3A_37 : vector<16xf32> to vector<16xf32>
      %mul3A = arith.mulf %get3A_29, %get3A_38 : vector<16xf32>
      %sub3A = arith.subf %get3A_32, %get3A_26 : vector<16xf32>
      %mul3A_39 = arith.mulf %mul3A, %sub3A : vector<16xf32>
      %add3A_40 = arith.addf %broadcast_in_dim3A_19, %mul3A_39 : vector<16xf32>
      %sub3A_41 = arith.subf %get3A_32, %get3A_35 : vector<16xf32>
      %mul3A_42 = arith.mulf %get3A_29, %sub3A_41 : vector<16xf32>
      %add3A_43 = arith.addf %broadcast_in_dim3A_21, %mul3A_42 : vector<16xf32>
      %sub3A_44 = arith.subf %get3A_38, %gather3A_17 : vector<16xf32>
      %mul3A_45 = arith.mulf %get3A_29, %sub3A_44 : vector<16xf32>
      %add3A_46 = arith.addf %broadcast_in_dim3A_23, %mul3A_45 : vector<16xf32>
      %get3A_47 = arith.constant 16 : index
      %get3A_48 = tpu.vector_load %arg8[%get3A_47] {strides = array<i32>} : memref<640xf32, #tpu.memory_space<vmem>>, vector<16xf32>,
      %get3A_49 = vector.shape_cast %get3A_48 : vector<16xf32> to vector<16xf32>
      %get3A_50 = arith.constant 144 : index
      %get3A_51 = tpu.vector_load %arg8[%get3A_50] {strides = array<i32>} : memref<640xf32, #tpu.memory_space<vmem>>, vector<16xf32>,
      %get3A_52 = vector.shape_cast %get3A_51 : vector<16xf32> to vector<16xf32>
      %get3A_53 = arith.constant 272 : index
      %get3A_54 = tpu.vector_load %arg8[%get3A_53] {strides = array<i32>} : memref<640xf32, #tpu.memory_space<vmem>>, vector<16xf32>,
      %get3A_55 = vector.shape_cast %get3A_54 : vector<16xf32> to vector<16xf32>
      %get3A_56 = arith.constant 400 : index
      %get3A_57 = tpu.vector_load %arg8[%get3A_56] {strides = array<i32>} : memref<640xf32, #tpu.memory_space<vmem>>, vector<16xf32>,
      %get3A_58 = vector.shape_cast %get3A_57 : vector<16xf32> to vector<16xf32>
      %get3A_59 = arith.constant 16 : index
      %get3A_60 = tpu.vector_load %arg9[%get3A_59] {strides = array<i32>} : memref<112xf32, #tpu.memory_space<vmem>>, vector<16xf32>,
      %get3A_61 = vector.shape_cast %get3A_60 : vector<16xf32> to vector<16xf32>
      %mul3A_62 = arith.mulf %get3A_52, %get3A_61 : vector<16xf32>
      %sub3A_63 = arith.subf %get3A_55, %get3A_49 : vector<16xf32>
      %mul3A_64 = arith.mulf %mul3A_62, %sub3A_63 : vector<16xf32>
      %add3A_65 = arith.addf %add3A_40, %mul3A_64 : vector<16xf32>
      %sub3A_66 = arith.subf %get3A_55, %get3A_58 : vector<16xf32>
      %mul3A_67 = arith.mulf %get3A_52, %sub3A_66 : vector<16xf32>
      %add3A_68 = arith.addf %add3A_43, %mul3A_67 : vector<16xf32>
      %sub3A_69 = arith.subf %get3A_61, %gather3A_17 : vector<16xf32>
      %mul3A_70 = arith.mulf %get3A_52, %sub3A_69 : vector<16xf32>
      %add3A_71 = arith.addf %add3A_46, %mul3A_70 : vector<16xf32>
      %get3A_72 = arith.constant 32 : index
      %get3A_73 = tpu.vector_load %arg8[%get3A_72] {strides = array<i32>} : memref<640xf32, #tpu.memory_space<vmem>>, vector<16xf32>,
      %get3A_74 = vector.shape_cast %get3A_73 : vector<16xf32> to vector<16xf32>
      %get3A_75 = arith.constant 160 : index
      %get3A_76 = tpu.vector_load %arg8[%get3A_75] {strides = array<i32>} : memref<640xf32, #tpu.memory_space<vmem>>, vector<16xf32>,
      %get3A_77 = vector.shape_cast %get3A_76 : vector<16xf32> to vector<16xf32>
      %get3A_78 = arith.constant 288 : index
      %get3A_79 = tpu.vector_load %arg8[%get3A_78] {strides = array<i32>} : memref<640xf32, #tpu.memory_space<vmem>>, vector<16xf32>,
      %get3A_80 = vector.shape_cast %get3A_79 : vector<16xf32> to vector<16xf32>
      %get3A_81 = arith.constant 416 : index
      %get3A_82 = tpu.vector_load %arg8[%get3A_81] {strides = array<i32>} : memref<640xf32, #tpu.memory_space<vmem>>, vector<16xf32>,
      %get3A_83 = vector.shape_cast %get3A_82 : vector<16xf32> to vector<16xf32>
      %get3A_84 = arith.constant 32 : index
      %get3A_85 = tpu.vector_load %arg9[%get3A_84] {strides = array<i32>} : memref<112xf32, #tpu.memory_space<vmem>>, vector<16xf32>,
      %get3A_86 = vector.shape_cast %get3A_85 : vector<16xf32> to vector<16xf32>
      %mul3A_87 = arith.mulf %get3A_77, %get3A_86 : vector<16xf32>
      %sub3A_88 = arith.subf %get3A_80, %get3A_74 : vector<16xf32>
      %mul3A_89 = arith.mulf %mul3A_87, %sub3A_88 : vector<16xf32>
      %add3A_90 = arith.addf %add3A_65, %mul3A_89 : vector<16xf32>
      %sub3A_91 = arith.subf %get3A_80, %get3A_83 : vector<16xf32>
      %mul3A_92 = arith.mulf %get3A_77, %sub3A_91 : vector<16xf32>
      %add3A_93 = arith.addf %add3A_68, %mul3A_92 : vector<16xf32>
      %sub3A_94 = arith.subf %get3A_86, %gather3A_17 : vector<16xf32>
      %mul3A_95 = arith.mulf %get3A_77, %sub3A_94 : vector<16xf32>
      %add3A_96 = arith.addf %add3A_71, %mul3A_95 : vector<16xf32>
      %get3A_97 = arith.constant 48 : index
      %get3A_98 = tpu.vector_load %arg8[%get3A_97] {strides = array<i32>} : memref<640xf32, #tpu.memory_space<vmem>>, vector<16xf32>,
      %get3A_99 = vector.shape_cast %get3A_98 : vector<16xf32> to vector<16xf32>
      %get3A_100 = arith.constant 176 : index
      %get3A_101 = tpu.vector_load %arg8[%get3A_100] {strides = array<i32>} : memref<640xf32, #tpu.memory_space<vmem>>, vector<16xf32>,
      %get3A_102 = vector.shape_cast %get3A_101 : vector<16xf32> to vector<16xf32>
      %get3A_103 = arith.constant 304 : index
      %get3A_104 = tpu.vector_load %arg8[%get3A_103] {strides = array<i32>} : memref<640xf32, #tpu.memory_space<vmem>>, vector<16xf32>,
      %get3A_105 = vector.shape_cast %get3A_104 : vector<16xf32> to vector<16xf32>
      %get3A_106 = arith.constant 432 : index
      %get3A_107 = tpu.vector_load %arg8[%get3A_106] {strides = array<i32>} : memref<640xf32, #tpu.memory_space<vmem>>, vector<16xf32>,
      %get3A_108 = vector.shape_cast %get3A_107 : vector<16xf32> to vector<16xf32>
      %get3A_109 = arith.constant 48 : index
      %get3A_110 = tpu.vector_load %arg9[%get3A_109] {strides = array<i32>} : memref<112xf32, #tpu.memory_space<vmem>>, vector<16xf32>,
      %get3A_111 = vector.shape_cast %get3A_110 : vector<16xf32> to vector<16xf32>
      %mul3A_112 = arith.mulf %get3A_102, %get3A_111 : vector<16xf32>
      %sub3A_113 = arith.subf %get3A_105, %get3A_99 : vector<16xf32>
      %mul3A_114 = arith.mulf %mul3A_112, %sub3A_113 : vector<16xf32>
      %add3A_115 = arith.addf %add3A_90, %mul3A_114 : vector<16xf32>
      %sub3A_116 = arith.subf %get3A_105, %get3A_108 : vector<16xf32>
      %mul3A_117 = arith.mulf %get3A_102, %sub3A_116 : vector<16xf32>
      %add3A_118 = arith.addf %add3A_93, %mul3A_117 : vector<16xf32>
      %sub3A_119 = arith.subf %get3A_111, %gather3A_17 : vector<16xf32>
      %mul3A_120 = arith.mulf %get3A_102, %sub3A_119 : vector<16xf32>
      %add3A_121 = arith.addf %add3A_96, %mul3A_120 : vector<16xf32>
      %get3A_122 = arith.constant 64 : index
      %get3A_123 = tpu.vector_load %arg8[%get3A_122] {strides = array<i32>} : memref<640xf32, #tpu.memory_space<vmem>>, vector<16xf32>,
      %get3A_124 = vector.shape_cast %get3A_123 : vector<16xf32> to vector<16xf32>
      %get3A_125 = arith.constant 192 : index
      %get3A_126 = tpu.vector_load %arg8[%get3A_125] {strides = array<i32>} : memref<640xf32, #tpu.memory_space<vmem>>, vector<16xf32>,
      %get3A_127 = vector.shape_cast %get3A_126 : vector<16xf32> to vector<16xf32>
      %get3A_128 = arith.constant 320 : index
      %get3A_129 = tpu.vector_load %arg8[%get3A_128] {strides = array<i32>} : memref<640xf32, #tpu.memory_space<vmem>>, vector<16xf32>,
      %get3A_130 = vector.shape_cast %get3A_129 : vector<16xf32> to vector<16xf32>
      %get3A_131 = arith.constant 448 : index
      %get3A_132 = tpu.vector_load %arg8[%get3A_131] {strides = array<i32>} : memref<640xf32, #tpu.memory_space<vmem>>, vector<16xf32>,
      %get3A_133 = vector.shape_cast %get3A_132 : vector<16xf32> to vector<16xf32>
      %get3A_134 = arith.constant 64 : index
      %get3A_135 = tpu.vector_load %arg9[%get3A_134] {strides = array<i32>} : memref<112xf32, #tpu.memory_space<vmem>>, vector<16xf32>,
      %get3A_136 = vector.shape_cast %get3A_135 : vector<16xf32> to vector<16xf32>
      %mul3A_137 = arith.mulf %get3A_127, %get3A_136 : vector<16xf32>
      %sub3A_138 = arith.subf %get3A_130, %get3A_124 : vector<16xf32>
      %mul3A_139 = arith.mulf %mul3A_137, %sub3A_138 : vector<16xf32>
      %add3A_140 = arith.addf %add3A_115, %mul3A_139 : vector<16xf32>
      %sub3A_141 = arith.subf %get3A_130, %get3A_133 : vector<16xf32>
      %mul3A_142 = arith.mulf %get3A_127, %sub3A_141 : vector<16xf32>
      %add3A_143 = arith.addf %add3A_118, %mul3A_142 : vector<16xf32>
      %sub3A_144 = arith.subf %get3A_136, %gather3A_17 : vector<16xf32>
      %mul3A_145 = arith.mulf %get3A_127, %sub3A_144 : vector<16xf32>
      %add3A_146 = arith.addf %add3A_121, %mul3A_145 : vector<16xf32>
      %get3A_147 = arith.constant 80 : index
      %get3A_148 = tpu.vector_load %arg8[%get3A_147] {strides = array<i32>} : memref<640xf32, #tpu.memory_space<vmem>>, vector<16xf32>,
      %get3A_149 = vector.shape_cast %get3A_148 : vector<16xf32> to vector<16xf32>
      %get3A_150 = arith.constant 208 : index
      %get3A_151 = tpu.vector_load %arg8[%get3A_150] {strides = array<i32>} : memref<640xf32, #tpu.memory_space<vmem>>, vector<16xf32>,
      %get3A_152 = vector.shape_cast %get3A_151 : vector<16xf32> to vector<16xf32>
      %get3A_153 = arith.constant 336 : index
      %get3A_154 = tpu.vector_load %arg8[%get3A_153] {strides = array<i32>} : memref<640xf32, #tpu.memory_space<vmem>>, vector<16xf32>,
      %get3A_155 = vector.shape_cast %get3A_154 : vector<16xf32> to vector<16xf32>
      %get3A_156 = arith.constant 464 : index
      %get3A_157 = tpu.vector_load %arg8[%get3A_156] {strides = array<i32>} : memref<640xf32, #tpu.memory_space<vmem>>, vector<16xf32>,
      %get3A_158 = vector.shape_cast %get3A_157 : vector<16xf32> to vector<16xf32>
      %get3A_159 = arith.constant 80 : index
      %get3A_160 = tpu.vector_load %arg9[%get3A_159] {strides = array<i32>} : memref<112xf32, #tpu.memory_space<vmem>>, vector<16xf32>,
      %get3A_161 = vector.shape_cast %get3A_160 : vector<16xf32> to vector<16xf32>
      %mul3A_162 = arith.mulf %get3A_152, %get3A_161 : vector<16xf32>
      %sub3A_163 = arith.subf %get3A_155, %get3A_149 : vector<16xf32>
      %mul3A_164 = arith.mulf %mul3A_162, %sub3A_163 : vector<16xf32>
      %add3A_165 = arith.addf %add3A_140, %mul3A_164 : vector<16xf32>
      %sub3A_166 = arith.subf %get3A_155, %get3A_158 : vector<16xf32>
      %mul3A_167 = arith.mulf %get3A_152, %sub3A_166 : vector<16xf32>
      %add3A_168 = arith.addf %add3A_143, %mul3A_167 : vector<16xf32>
      %sub3A_169 = arith.subf %get3A_161, %gather3A_17 : vector<16xf32>
      %mul3A_170 = arith.mulf %get3A_152, %sub3A_169 : vector<16xf32>
      %add3A_171 = arith.addf %add3A_146, %mul3A_170 : vector<16xf32>
      %get3A_172 = arith.constant 96 : index
      %get3A_173 = tpu.vector_load %arg8[%get3A_172] {strides = array<i32>} : memref<640xf32, #tpu.memory_space<vmem>>, vector<16xf32>,
      %get3A_174 = vector.shape_cast %get3A_173 : vector<16xf32> to vector<16xf32>
      %get3A_175 = arith.constant 224 : index
      %get3A_176 = tpu.vector_load %arg8[%get3A_175] {strides = array<i32>} : memref<640xf32, #tpu.memory_space<vmem>>, vector<16xf32>,
      %get3A_177 = vector.shape_cast %get3A_176 : vector<16xf32> to vector<16xf32>
      %get3A_178 = arith.constant 352 : index
      %get3A_179 = tpu.vector_load %arg8[%get3A_178] {strides = array<i32>} : memref<640xf32, #tpu.memory_space<vmem>>, vector<16xf32>,
      %get3A_180 = vector.shape_cast %get3A_179 : vector<16xf32> to vector<16xf32>
      %get3A_181 = arith.constant 480 : index
      %get3A_182 = tpu.vector_load %arg8[%get3A_181] {strides = array<i32>} : memref<640xf32, #tpu.memory_space<vmem>>, vector<16xf32>,
      %get3A_183 = vector.shape_cast %get3A_182 : vector<16xf32> to vector<16xf32>
      %get3A_184 = arith.constant 96 : index
      %get3A_185 = tpu.vector_load %arg9[%get3A_184] {strides = array<i32>} : memref<112xf32, #tpu.memory_space<vmem>>, vector<16xf32>,
      %get3A_186 = vector.shape_cast %get3A_185 : vector<16xf32> to vector<16xf32>
      %mul3A_187 = arith.mulf %get3A_177, %get3A_186 : vector<16xf32>
      %sub3A_188 = arith.subf %get3A_180, %get3A_174 : vector<16xf32>
      %mul3A_189 = arith.mulf %mul3A_187, %sub3A_188 : vector<16xf32>
      %add3A_190 = arith.addf %add3A_165, %mul3A_189 : vector<16xf32>
      %sub3A_191 = arith.subf %get3A_180, %get3A_183 : vector<16xf32>
      %mul3A_192 = arith.mulf %get3A_177, %sub3A_191 : vector<16xf32>
      %add3A_193 = arith.addf %add3A_168, %mul3A_192 : vector<16xf32>
      %sub3A_194 = arith.subf %get3A_186, %gather3A_17 : vector<16xf32>
      %mul3A_195 = arith.mulf %get3A_177, %sub3A_194 : vector<16xf32>
      %add3A_196 = arith.addf %add3A_171, %mul3A_195 : vector<16xf32>
      %iota3A = tpu.iota {dimensions = array<i32: 0>} : vector<16xi32>
      %xor3A = arith.constant 1 : i32
      %xor3A_197 = vector.broadcast %xor3A : i32 to vector<16xi32>
      %xor3A_198 = arith.xori %iota3A, %xor3A_197 : vector<16xi32>
      %broadcast_in_dim3A_199 = vector.shape_cast %xor3A_198 : vector<16xi32> to vector<16x1xi32>
      %gather3A_200 = vector.shape_cast %broadcast_in_dim3A_199 : vector<16x1xi32> to vector<16xi32>
      %gather3A_201 = tpu.dynamic_gather %add3A_190[%gather3A_200] in [0] : vector<16xf32>, vector<16xi32> -> vector<16xf32>
      %add3A_202 = arith.addf %add3A_190, %gather3A_201 : vector<16xf32>
      %xor3A_203 = arith.constant 2 : i32
      %xor3A_204 = vector.broadcast %xor3A_203 : i32 to vector<16xi32>
      %xor3A_205 = arith.xori %iota3A, %xor3A_204 : vector<16xi32>
      %broadcast_in_dim3A_206 = vector.shape_cast %xor3A_205 : vector<16xi32> to vector<16x1xi32>
      %gather3A_207 = vector.shape_cast %broadcast_in_dim3A_206 : vector<16x1xi32> to vector<16xi32>
      %gather3A_208 = tpu.dynamic_gather %add3A_202[%gather3A_207] in [0] : vector<16xf32>, vector<16xi32> -> vector<16xf32>
      %add3A_209 = arith.addf %add3A_202, %gather3A_208 : vector<16xf32>
      %xor3A_210 = arith.constant 4 : i32
      %xor3A_211 = vector.broadcast %xor3A_210 : i32 to vector<16xi32>
      %xor3A_212 = arith.xori %iota3A, %xor3A_211 : vector<16xi32>
      %broadcast_in_dim3A_213 = vector.shape_cast %xor3A_212 : vector<16xi32> to vector<16x1xi32>
      %gather3A_214 = vector.shape_cast %broadcast_in_dim3A_213 : vector<16x1xi32> to vector<16xi32>
      %gather3A_215 = tpu.dynamic_gather %add3A_209[%gather3A_214] in [0] : vector<16xf32>, vector<16xi32> -> vector<16xf32>
      %add3A_216 = arith.addf %add3A_209, %gather3A_215 : vector<16xf32>
      %xor3A_217 = arith.constant 8 : i32
      %xor3A_218 = vector.broadcast %xor3A_217 : i32 to vector<16xi32>
      %xor3A_219 = arith.xori %iota3A, %xor3A_218 : vector<16xi32>
      %broadcast_in_dim3A_220 = vector.shape_cast %xor3A_219 : vector<16xi32> to vector<16x1xi32>
      %gather3A_221 = vector.shape_cast %broadcast_in_dim3A_220 : vector<16x1xi32> to vector<16xi32>
      %gather3A_222 = tpu.dynamic_gather %add3A_216[%gather3A_221] in [0] : vector<16xf32>, vector<16xi32> -> vector<16xf32>
      %add3A_223 = arith.addf %add3A_216, %gather3A_222 : vector<16xf32>
      %iota3A_224 = tpu.iota {dimensions = array<i32: 0>} : vector<16xi32>
      %xor3A_225 = arith.constant 1 : i32
      %xor3A_226 = vector.broadcast %xor3A_225 : i32 to vector<16xi32>
      %xor3A_227 = arith.xori %iota3A_224, %xor3A_226 : vector<16xi32>
      %broadcast_in_dim3A_228 = vector.shape_cast %xor3A_227 : vector<16xi32> to vector<16x1xi32>
      %gather3A_229 = vector.shape_cast %broadcast_in_dim3A_228 : vector<16x1xi32> to vector<16xi32>
      %gather3A_230 = tpu.dynamic_gather %add3A_193[%gather3A_229] in [0] : vector<16xf32>, vector<16xi32> -> vector<16xf32>
      %add3A_231 = arith.addf %add3A_193, %gather3A_230 : vector<16xf32>
      %xor3A_232 = arith.constant 2 : i32
      %xor3A_233 = vector.broadcast %xor3A_232 : i32 to vector<16xi32>
      %xor3A_234 = arith.xori %iota3A_224, %xor3A_233 : vector<16xi32>
      %broadcast_in_dim3A_235 = vector.shape_cast %xor3A_234 : vector<16xi32> to vector<16x1xi32>
      %gather3A_236 = vector.shape_cast %broadcast_in_dim3A_235 : vector<16x1xi32> to vector<16xi32>
      %gather3A_237 = tpu.dynamic_gather %add3A_231[%gather3A_236] in [0] : vector<16xf32>, vector<16xi32> -> vector<16xf32>
      %add3A_238 = arith.addf %add3A_231, %gather3A_237 : vector<16xf32>
      %xor3A_239 = arith.constant 4 : i32
      %xor3A_240 = vector.broadcast %xor3A_239 : i32 to vector<16xi32>
      %xor3A_241 = arith.xori %iota3A_224, %xor3A_240 : vector<16xi32>
      %broadcast_in_dim3A_242 = vector.shape_cast %xor3A_241 : vector<16xi32> to vector<16x1xi32>
      %gather3A_243 = vector.shape_cast %broadcast_in_dim3A_242 : vector<16x1xi32> to vector<16xi32>
      %gather3A_244 = tpu.dynamic_gather %add3A_238[%gather3A_243] in [0] : vector<16xf32>, vector<16xi32> -> vector<16xf32>
      %add3A_245 = arith.addf %add3A_238, %gather3A_244 : vector<16xf32>
      %xor3A_246 = arith.constant 8 : i32
      %xor3A_247 = vector.broadcast %xor3A_246 : i32 to vector<16xi32>
      %xor3A_248 = arith.xori %iota3A_224, %xor3A_247 : vector<16xi32>
      %broadcast_in_dim3A_249 = vector.shape_cast %xor3A_248 : vector<16xi32> to vector<16x1xi32>
      %gather3A_250 = vector.shape_cast %broadcast_in_dim3A_249 : vector<16x1xi32> to vector<16xi32>
      %gather3A_251 = tpu.dynamic_gather %add3A_245[%gather3A_250] in [0] : vector<16xf32>, vector<16xi32> -> vector<16xf32>
      %add3A_252 = arith.addf %add3A_245, %gather3A_251 : vector<16xf32>
      %iota3A_253 = tpu.iota {dimensions = array<i32: 0>} : vector<16xi32>
      %xor3A_254 = arith.constant 1 : i32
      %xor3A_255 = vector.broadcast %xor3A_254 : i32 to vector<16xi32>
      %xor3A_256 = arith.xori %iota3A_253, %xor3A_255 : vector<16xi32>
      %broadcast_in_dim3A_257 = vector.shape_cast %xor3A_256 : vector<16xi32> to vector<16x1xi32>
      %gather3A_258 = vector.shape_cast %broadcast_in_dim3A_257 : vector<16x1xi32> to vector<16xi32>
      %gather3A_259 = tpu.dynamic_gather %add3A_196[%gather3A_258] in [0] : vector<16xf32>, vector<16xi32> -> vector<16xf32>
      %add3A_260 = arith.addf %add3A_196, %gather3A_259 : vector<16xf32>
      %xor3A_261 = arith.constant 2 : i32
      %xor3A_262 = vector.broadcast %xor3A_261 : i32 to vector<16xi32>
      %xor3A_263 = arith.xori %iota3A_253, %xor3A_262 : vector<16xi32>
      %broadcast_in_dim3A_264 = vector.shape_cast %xor3A_263 : vector<16xi32> to vector<16x1xi32>
      %gather3A_265 = vector.shape_cast %broadcast_in_dim3A_264 : vector<16x1xi32> to vector<16xi32>
      %gather3A_266 = tpu.dynamic_gather %add3A_260[%gather3A_265] in [0] : vector<16xf32>, vector<16xi32> -> vector<16xf32>
      %add3A_267 = arith.addf %add3A_260, %gather3A_266 : vector<16xf32>
      %xor3A_268 = arith.constant 4 : i32
      %xor3A_269 = vector.broadcast %xor3A_268 : i32 to vector<16xi32>
      %xor3A_270 = arith.xori %iota3A_253, %xor3A_269 : vector<16xi32>
      %broadcast_in_dim3A_271 = vector.shape_cast %xor3A_270 : vector<16xi32> to vector<16x1xi32>
      %gather3A_272 = vector.shape_cast %broadcast_in_dim3A_271 : vector<16x1xi32> to vector<16xi32>
      %gather3A_273 = tpu.dynamic_gather %add3A_267[%gather3A_272] in [0] : vector<16xf32>, vector<16xi32> -> vector<16xf32>
      %add3A_274 = arith.addf %add3A_267, %gather3A_273 : vector<16xf32>
      %xor3A_275 = arith.constant 8 : i32
      %xor3A_276 = vector.broadcast %xor3A_275 : i32 to vector<16xi32>
      %xor3A_277 = arith.xori %iota3A_253, %xor3A_276 : vector<16xi32>
      %broadcast_in_dim3A_278 = vector.shape_cast %xor3A_277 : vector<16xi32> to vector<16x1xi32>
      %gather3A_279 = vector.shape_cast %broadcast_in_dim3A_278 : vector<16x1xi32> to vector<16xi32>
      %gather3A_280 = tpu.dynamic_gather %add3A_274[%gather3A_279] in [0] : vector<16xf32>, vector<16xi32> -> vector<16xf32>
      %add3A_281 = arith.addf %add3A_274, %gather3A_280 : vector<16xf32>
      %mul3A_282 = arith.mulf %gather3A_17, %add3A_252 : vector<16xf32>
      %sub3A_283 = arith.subf %add3A_223, %mul3A_282 : vector<16xf32>
      %get3A_284 = arith.constant 512 : index
      %get3A_285 = tpu.vector_load %arg8[%get3A_284] {strides = array<i32>} : memref<640xf32, #tpu.memory_space<vmem>>, vector<16xf32>,
      %get3A_286 = vector.shape_cast %get3A_285 : vector<16xf32> to vector<16xf32>
      %broadcast_in_dim3A_287 = arith.constant 0 : i32
      %broadcast_in_dim3A_288 = vector.broadcast %broadcast_in_dim3A_287 : i32 to vector<16xi32>
      %add3A_289 = arith.constant 0 : i32
      %add3A_290 = vector.broadcast %add3A_289 : i32 to vector<16xi32>
      %add3A_291 = arith.addi %broadcast_in_dim3A_288, %add3A_290 : vector<16xi32>
      %broadcast_in_dim3A_292 = vector.shape_cast %add3A_291 : vector<16xi32> to vector<16x1xi32>
      %gather3A_293 = vector.shape_cast %broadcast_in_dim3A_292 : vector<16x1xi32> to vector<16xi32>
      %gather3A_294 = tpu.dynamic_gather %get3A_286[%gather3A_293] in [0] : vector<16xf32>, vector<16xi32> -> vector<16xf32>
      %broadcast_in_dim3A_295 = arith.constant 0 : i32
      %broadcast_in_dim3A_296 = vector.broadcast %broadcast_in_dim3A_295 : i32 to vector<16xi32>
      %add3A_297 = arith.constant 1 : i32
      %add3A_298 = vector.broadcast %add3A_297 : i32 to vector<16xi32>
      %add3A_299 = arith.addi %broadcast_in_dim3A_296, %add3A_298 : vector<16xi32>
      %broadcast_in_dim3A_300 = vector.shape_cast %add3A_299 : vector<16xi32> to vector<16x1xi32>
      %gather3A_301 = vector.shape_cast %broadcast_in_dim3A_300 : vector<16x1xi32> to vector<16xi32>
      %gather3A_302 = tpu.dynamic_gather %get3A_286[%gather3A_301] in [0] : vector<16xf32>, vector<16xi32> -> vector<16xf32>
      %broadcast_in_dim3A_303 = arith.constant 0 : i32
      %broadcast_in_dim3A_304 = vector.broadcast %broadcast_in_dim3A_303 : i32 to vector<16xi32>
      %add3A_305 = arith.constant 2 : i32
      %add3A_306 = vector.broadcast %add3A_305 : i32 to vector<16xi32>
      %add3A_307 = arith.addi %broadcast_in_dim3A_304, %add3A_306 : vector<16xi32>
      %broadcast_in_dim3A_308 = vector.shape_cast %add3A_307 : vector<16xi32> to vector<16x1xi32>
      %gather3A_309 = vector.shape_cast %broadcast_in_dim3A_308 : vector<16x1xi32> to vector<16xi32>
      %gather3A_310 = tpu.dynamic_gather %get3A_286[%gather3A_309] in [0] : vector<16xf32>, vector<16xi32> -> vector<16xf32>
      %sub3A_311 = arith.subf %gather3A_294, %gather3A_302 : vector<16xf32>
      %mul3A_312 = arith.mulf %gather3A_17, %sub3A_311 : vector<16xf32>
      %add3A_313 = arith.addf %mul3A_312, %sub3A_283 : vector<16xf32>
      %mul3A_314 = arith.constant 9.000000e+02 : f32
      %mul3A_315 = vector.broadcast %mul3A_314 : f32 to vector<16xf32>
      %mul3A_316 = arith.mulf %mul3A_315, %gather3A_17 : vector<16xf32>
      %add3A_317 = arith.addf %mul3A_316, %add3A_281 : vector<16xf32>
      %div3A = arith.divf %add3A_313, %add3A_317 : vector<16xf32>
      %mul3A_318 = arith.constant 2.000000e+00 : f32
      %mul3A_319 = vector.broadcast %mul3A_318 : f32 to vector<16xf32>
      %mul3A_320 = arith.mulf %mul3A_319, %div3A : vector<16xf32>
      %mul3A_321 = arith.constant 5.000000e+00 : f32
      %mul3A_322 = vector.broadcast %mul3A_321 : f32 to vector<16xf32>
      %mul3A_323 = arith.mulf %mul3A_322, %gather3A_310 : vector<16xf32>
      %add3A_324 = arith.addf %mul3A_320, %mul3A_323 : vector<16xf32>
      %mul3A_325 = arith.constant 6.250000e-02 : f32
      %mul3A_326 = vector.broadcast %mul3A_325 : f32 to vector<16xf32>
      %mul3A_327 = arith.mulf %add3A_324, %mul3A_326 : vector<16xf32>
      %swap3A = arith.constant 0 : index
      %swap3A_328 = tpu.vector_load %arg10[%swap3A] {strides = array<i32>} : memref<16xf32, #tpu.memory_space<vmem>>, vector<16xf32>,
      %swap3A_329 = vector.shape_cast %swap3A_328 : vector<16xf32> to vector<16xf32>
      %swap3A_330 = vector.shape_cast %mul3A_327 : vector<16xf32> to vector<16xf32>
      tpu.vector_store %arg10[%swap3A], %swap3A_330 {strides = array<i32>} : memref<16xf32, #tpu.memory_space<vmem>>, vector<16xf32>,
      "tpu.region"() ({
        %run_scoped3A = tpu.sem_alloc : memref<!tpu.dma_semaphore, #tpu.memory_space<semaphore_mem>>
        %dma_start3A_331 = arith.constant 0 : i32
        %dma_start3A_332 = tpu.memref_slice %arg5[%arg1, %dma_start3A_331] : memref<16x16xf32, #tpu.memory_space<hbm>> -> memref<1x16xf32, #tpu.memory_space<hbm>>
        %dma_start3A_333 = tpu.memref_squeeze %dma_start3A_332 : memref<1x16xf32, #tpu.memory_space<hbm>> -> memref<16xf32, #tpu.memory_space<hbm>>
        %dma_start3A_334 = arith.constant 0 : i32
        %dma_start3A_335 = tpu.memref_slice %arg5[%arg1, %dma_start3A_334] : memref<16x16xf32, #tpu.memory_space<hbm>> -> memref<1x16xf32, #tpu.memory_space<hbm>>
        %dma_start3A_336 = tpu.memref_squeeze %dma_start3A_335 : memref<1x16xf32, #tpu.memory_space<hbm>> -> memref<16xf32, #tpu.memory_space<hbm>>
        tpu.enqueue_dma source(%arg10 : memref<16xf32, #tpu.memory_space<vmem>>) target(%dma_start3A_336 : memref<16xf32, #tpu.memory_space<hbm>>) target_semaphore(%run_scoped3A : memref<!tpu.dma_semaphore, #tpu.memory_space<semaphore_mem>>)
        %dma_wait3A_337 = arith.constant 0 : i32
        %dma_wait3A_338 = tpu.memref_slice %arg5[%arg1, %dma_wait3A_337] : memref<16x16xf32, #tpu.memory_space<hbm>> -> memref<1x16xf32, #tpu.memory_space<hbm>>
        %dma_wait3A_339 = tpu.memref_squeeze %dma_wait3A_338 : memref<1x16xf32, #tpu.memory_space<hbm>> -> memref<16xf32, #tpu.memory_space<hbm>>
        %dma_wait3A_340 = arith.constant 0 : i32
        %dma_wait3A_341 = tpu.memref_slice %arg5[%arg1, %dma_wait3A_340] : memref<16x16xf32, #tpu.memory_space<hbm>> -> memref<1x16xf32, #tpu.memory_space<hbm>>
        %dma_wait3A_342 = tpu.memref_squeeze %dma_wait3A_341 : memref<1x16xf32, #tpu.memory_space<hbm>> -> memref<16xf32, #tpu.memory_space<hbm>>
        tpu.wait_dma2 semaphore(%run_scoped3A : memref<!tpu.dma_semaphore, #tpu.memory_space<semaphore_mem>>) src(%arg10 : memref<16xf32, #tpu.memory_space<vmem>>) dst(%dma_wait3A_342 : memref<16xf32, #tpu.memory_space<hbm>>)
        tpu.yield
      }) : () -> ()
    } else {
    }
    %barrier3A = arith.constant 0 : index
    tpu.barrier barrier_id(%barrier3A)
    %eq3A_2 = arith.constant 0 : i32
    %eq3A_3 = arith.cmpi eq, %arg0, %eq3A_2 : i32
    %eq3A_4 = arith.constant 0 : i32
    %eq3A_5 = arith.cmpi eq, %arg1, %eq3A_4 : i32
    %and3A = arith.andi %eq3A_3, %eq3A_5 : i1
    %convert_element_type3A_6 = arith.extui %and3A : i1 to i32
    %cond3A_7 = arith.constant 0 : i32
    %cond3A_8 = arith.cmpi ne, %convert_element_type3A_6, %cond3A_7 : i32
    scf.if %cond3A_8 {
      "tpu.region"() ({
        %run_scoped3A = tpu.sem_alloc : memref<!tpu.dma_semaphore, #tpu.memory_space<semaphore_mem>>
        tpu.enqueue_dma source(%arg5 : memref<16x16xf32, #tpu.memory_space<hbm>>) target(%arg11 : memref<16x16xf32, #tpu.memory_space<vmem>>) target_semaphore(%run_scoped3A : memref<!tpu.dma_semaphore, #tpu.memory_space<semaphore_mem>>)
        tpu.wait_dma2 semaphore(%run_scoped3A : memref<!tpu.dma_semaphore, #tpu.memory_space<semaphore_mem>>) src(%arg5 : memref<16x16xf32, #tpu.memory_space<hbm>>) dst(%arg11 : memref<16x16xf32, #tpu.memory_space<vmem>>)
        tpu.yield
      }) : () -> ()
      %broadcast_in_dim3A = arith.constant 0.000000e+00 : f32
      %broadcast_in_dim3A_9 = vector.broadcast %broadcast_in_dim3A : f32 to vector<16xf32>
      %get3A = arith.constant 0 : i32
      %get3A_10 = arith.index_cast %get3A : i32 to index
      %get3A_11 = arith.constant 0 : index
      %get3A_12 = tpu.vector_load %arg11[%get3A_10, %get3A_11] {strides = array<i32>} : memref<16x16xf32, #tpu.memory_space<vmem>>, vector<1x16xf32>,
      %get3A_13 = vector.shape_cast %get3A_12 : vector<1x16xf32> to vector<16xf32>
      %add3A = arith.addf %broadcast_in_dim3A_9, %get3A_13 : vector<16xf32>
      %get3A_14 = arith.constant 1 : i32
      %get3A_15 = arith.index_cast %get3A_14 : i32 to index
      %get3A_16 = arith.constant 0 : index
      %get3A_17 = tpu.vector_load %arg11[%get3A_15, %get3A_16] {strides = array<i32>} : memref<16x16xf32, #tpu.memory_space<vmem>>, vector<1x16xf32>,
      %get3A_18 = vector.shape_cast %get3A_17 : vector<1x16xf32> to vector<16xf32>
      %add3A_19 = arith.addf %add3A, %get3A_18 : vector<16xf32>
      %get3A_20 = arith.constant 2 : i32
      %get3A_21 = arith.index_cast %get3A_20 : i32 to index
      %get3A_22 = arith.constant 0 : index
      %get3A_23 = tpu.vector_load %arg11[%get3A_21, %get3A_22] {strides = array<i32>} : memref<16x16xf32, #tpu.memory_space<vmem>>, vector<1x16xf32>,
      %get3A_24 = vector.shape_cast %get3A_23 : vector<1x16xf32> to vector<16xf32>
      %add3A_25 = arith.addf %add3A_19, %get3A_24 : vector<16xf32>
      %get3A_26 = arith.constant 3 : i32
      %get3A_27 = arith.index_cast %get3A_26 : i32 to index
      %get3A_28 = arith.constant 0 : index
      %get3A_29 = tpu.vector_load %arg11[%get3A_27, %get3A_28] {strides = array<i32>} : memref<16x16xf32, #tpu.memory_space<vmem>>, vector<1x16xf32>,
      %get3A_30 = vector.shape_cast %get3A_29 : vector<1x16xf32> to vector<16xf32>
      %add3A_31 = arith.addf %add3A_25, %get3A_30 : vector<16xf32>
      %get3A_32 = arith.constant 4 : i32
      %get3A_33 = arith.index_cast %get3A_32 : i32 to index
      %get3A_34 = arith.constant 0 : index
      %get3A_35 = tpu.vector_load %arg11[%get3A_33, %get3A_34] {strides = array<i32>} : memref<16x16xf32, #tpu.memory_space<vmem>>, vector<1x16xf32>,
      %get3A_36 = vector.shape_cast %get3A_35 : vector<1x16xf32> to vector<16xf32>
      %add3A_37 = arith.addf %add3A_31, %get3A_36 : vector<16xf32>
      %get3A_38 = arith.constant 5 : i32
      %get3A_39 = arith.index_cast %get3A_38 : i32 to index
      %get3A_40 = arith.constant 0 : index
      %get3A_41 = tpu.vector_load %arg11[%get3A_39, %get3A_40] {strides = array<i32>} : memref<16x16xf32, #tpu.memory_space<vmem>>, vector<1x16xf32>,
      %get3A_42 = vector.shape_cast %get3A_41 : vector<1x16xf32> to vector<16xf32>
      %add3A_43 = arith.addf %add3A_37, %get3A_42 : vector<16xf32>
      %get3A_44 = arith.constant 6 : i32
      %get3A_45 = arith.index_cast %get3A_44 : i32 to index
      %get3A_46 = arith.constant 0 : index
      %get3A_47 = tpu.vector_load %arg11[%get3A_45, %get3A_46] {strides = array<i32>} : memref<16x16xf32, #tpu.memory_space<vmem>>, vector<1x16xf32>,
      %get3A_48 = vector.shape_cast %get3A_47 : vector<1x16xf32> to vector<16xf32>
      %add3A_49 = arith.addf %add3A_43, %get3A_48 : vector<16xf32>
      %get3A_50 = arith.constant 7 : i32
      %get3A_51 = arith.index_cast %get3A_50 : i32 to index
      %get3A_52 = arith.constant 0 : index
      %get3A_53 = tpu.vector_load %arg11[%get3A_51, %get3A_52] {strides = array<i32>} : memref<16x16xf32, #tpu.memory_space<vmem>>, vector<1x16xf32>,
      %get3A_54 = vector.shape_cast %get3A_53 : vector<1x16xf32> to vector<16xf32>
      %add3A_55 = arith.addf %add3A_49, %get3A_54 : vector<16xf32>
      %get3A_56 = arith.constant 8 : i32
      %get3A_57 = arith.index_cast %get3A_56 : i32 to index
      %get3A_58 = arith.constant 0 : index
      %get3A_59 = tpu.vector_load %arg11[%get3A_57, %get3A_58] {strides = array<i32>} : memref<16x16xf32, #tpu.memory_space<vmem>>, vector<1x16xf32>,
      %get3A_60 = vector.shape_cast %get3A_59 : vector<1x16xf32> to vector<16xf32>
      %add3A_61 = arith.addf %add3A_55, %get3A_60 : vector<16xf32>
      %get3A_62 = arith.constant 9 : i32
      %get3A_63 = arith.index_cast %get3A_62 : i32 to index
      %get3A_64 = arith.constant 0 : index
      %get3A_65 = tpu.vector_load %arg11[%get3A_63, %get3A_64] {strides = array<i32>} : memref<16x16xf32, #tpu.memory_space<vmem>>, vector<1x16xf32>,
      %get3A_66 = vector.shape_cast %get3A_65 : vector<1x16xf32> to vector<16xf32>
      %add3A_67 = arith.addf %add3A_61, %get3A_66 : vector<16xf32>
      %get3A_68 = arith.constant 10 : i32
      %get3A_69 = arith.index_cast %get3A_68 : i32 to index
      %get3A_70 = arith.constant 0 : index
      %get3A_71 = tpu.vector_load %arg11[%get3A_69, %get3A_70] {strides = array<i32>} : memref<16x16xf32, #tpu.memory_space<vmem>>, vector<1x16xf32>,
      %get3A_72 = vector.shape_cast %get3A_71 : vector<1x16xf32> to vector<16xf32>
      %add3A_73 = arith.addf %add3A_67, %get3A_72 : vector<16xf32>
      %get3A_74 = arith.constant 11 : i32
      %get3A_75 = arith.index_cast %get3A_74 : i32 to index
      %get3A_76 = arith.constant 0 : index
      %get3A_77 = tpu.vector_load %arg11[%get3A_75, %get3A_76] {strides = array<i32>} : memref<16x16xf32, #tpu.memory_space<vmem>>, vector<1x16xf32>,
      %get3A_78 = vector.shape_cast %get3A_77 : vector<1x16xf32> to vector<16xf32>
      %add3A_79 = arith.addf %add3A_73, %get3A_78 : vector<16xf32>
      %get3A_80 = arith.constant 12 : i32
      %get3A_81 = arith.index_cast %get3A_80 : i32 to index
      %get3A_82 = arith.constant 0 : index
      %get3A_83 = tpu.vector_load %arg11[%get3A_81, %get3A_82] {strides = array<i32>} : memref<16x16xf32, #tpu.memory_space<vmem>>, vector<1x16xf32>,
      %get3A_84 = vector.shape_cast %get3A_83 : vector<1x16xf32> to vector<16xf32>
      %add3A_85 = arith.addf %add3A_79, %get3A_84 : vector<16xf32>
      %get3A_86 = arith.constant 13 : i32
      %get3A_87 = arith.index_cast %get3A_86 : i32 to index
      %get3A_88 = arith.constant 0 : index
      %get3A_89 = tpu.vector_load %arg11[%get3A_87, %get3A_88] {strides = array<i32>} : memref<16x16xf32, #tpu.memory_space<vmem>>, vector<1x16xf32>,
      %get3A_90 = vector.shape_cast %get3A_89 : vector<1x16xf32> to vector<16xf32>
      %add3A_91 = arith.addf %add3A_85, %get3A_90 : vector<16xf32>
      %get3A_92 = arith.constant 14 : i32
      %get3A_93 = arith.index_cast %get3A_92 : i32 to index
      %get3A_94 = arith.constant 0 : index
      %get3A_95 = tpu.vector_load %arg11[%get3A_93, %get3A_94] {strides = array<i32>} : memref<16x16xf32, #tpu.memory_space<vmem>>, vector<1x16xf32>,
      %get3A_96 = vector.shape_cast %get3A_95 : vector<1x16xf32> to vector<16xf32>
      %add3A_97 = arith.addf %add3A_91, %get3A_96 : vector<16xf32>
      %get3A_98 = arith.constant 15 : i32
      %get3A_99 = arith.index_cast %get3A_98 : i32 to index
      %get3A_100 = arith.constant 0 : index
      %get3A_101 = tpu.vector_load %arg11[%get3A_99, %get3A_100] {strides = array<i32>} : memref<16x16xf32, #tpu.memory_space<vmem>>, vector<1x16xf32>,
      %get3A_102 = vector.shape_cast %get3A_101 : vector<1x16xf32> to vector<16xf32>
      %add3A_103 = arith.addf %add3A_97, %get3A_102 : vector<16xf32>
      %iota3A = tpu.iota {dimensions = array<i32: 0>} : vector<16xi32>
      %eq3A_104 = arith.constant 0 : i32
      %eq3A_105 = vector.broadcast %eq3A_104 : i32 to vector<16xi32>
      %eq3A_106 = arith.cmpi eq, %iota3A, %eq3A_105 : vector<16xi32>
      %jit3A = arith.constant 0.000000e+00 : f32
      %broadcast_in_dim3A_107 = vector.broadcast %jit3A : f32 to vector<16xf32>
      %select_n3A = arith.select %eq3A_106, %add3A_103, %broadcast_in_dim3A_107 : vector<16xi1>, vector<16xf32>
      %swap3A = arith.constant 0 : index
      %swap3A_108 = tpu.vector_load %arg10[%swap3A] {strides = array<i32>} : memref<16xf32, #tpu.memory_space<vmem>>, vector<16xf32>,
      %swap3A_109 = vector.shape_cast %swap3A_108 : vector<16xf32> to vector<16xf32>
      %swap3A_110 = vector.shape_cast %select_n3A : vector<16xf32> to vector<16xf32>
      tpu.vector_store %arg10[%swap3A], %swap3A_110 {strides = array<i32>} : memref<16xf32, #tpu.memory_space<vmem>>, vector<16xf32>,
      "tpu.region"() ({
        %run_scoped3A = tpu.sem_alloc : memref<!tpu.dma_semaphore, #tpu.memory_space<semaphore_mem>>
        tpu.enqueue_dma source(%arg10 : memref<16xf32, #tpu.memory_space<vmem>>) target(%arg6 : memref<16xf32, #tpu.memory_space<hbm>>) target_semaphore(%run_scoped3A : memref<!tpu.dma_semaphore, #tpu.memory_space<semaphore_mem>>)
        tpu.wait_dma2 semaphore(%run_scoped3A : memref<!tpu.dma_semaphore, #tpu.memory_space<semaphore_mem>>) src(%arg10 : memref<16xf32, #tpu.memory_space<vmem>>) dst(%arg6 : memref<16xf32, #tpu.memory_space<hbm>>)
        tpu.yield
      }) : () -> ()
    } else {
    }
    return
  }
}

module attributes {stable_mosaic.version = 14 : i64} {
  func.func @_tc_body(%arg0: i32, %arg1: memref<1x900x1000xf32, #tpu.memory_space<vmem>>, %arg2: memref<1x4x900xf32, #tpu.memory_space<vmem>>, %arg3: memref<1x4x100xf32, #tpu.memory_space<vmem>>, %arg4: memref<1x1x100xi32, #tpu.memory_space<vmem>>, %arg5: memref<1x100x1xi32, #tpu.memory_space<vmem>>, %arg6: memref<16x640xf32, #tpu.memory_space<vmem>>, %arg7: memref<16x112xi32, #tpu.memory_space<vmem>>) attributes {dimension_semantics = [#tpu.dimension_semantics<arbitrary>], iteration_bounds = array<i64: 16>, scalar_prefetch = 0 : i64, scratch_operands = 0 : i64, tpu.core_type = #tpu.core_type<tc>, window_params = [{transform_indices = @transform_0, window_bounds = array<i64: 1, 900, 1000>}, {transform_indices = @transform_1, window_bounds = array<i64: 1, 4, 900>}, {transform_indices = @transform_2, window_bounds = array<i64: 1, 4, 100>}, {transform_indices = @transform_3, window_bounds = array<i64: 1, 1, 100>}, {transform_indices = @transform_4, window_bounds = array<i64: 1, 100, 1>}, {pipeline_mode = #tpu.pipeline_mode<synchronous>, transform_indices = @transform_5, window_bounds = array<i64: 16, 640>}, {pipeline_mode = #tpu.pipeline_mode<synchronous>, transform_indices = @transform_6, window_bounds = array<i64: 16, 112>}]} {
    %get3A = arith.constant 0 : index
    %get3A_0 = arith.constant 0 : index
    %get3A_1 = arith.constant 0 : index
    %get3A_2 = vector.load %arg1[%get3A, %get3A_0, %get3A_1] : memref<1x900x1000xf32, #tpu.memory_space<vmem>>, vector<1x900x1000xf32>
    %get3A_3 = vector.shape_cast %get3A_2 : vector<1x900x1000xf32> to vector<900x1000xf32>
    %get3A_4 = arith.constant 0 : index
    %get3A_5 = arith.constant 0 : index
    %get3A_6 = arith.constant 0 : index
    %get3A_7 = vector.load %arg2[%get3A_4, %get3A_5, %get3A_6] : memref<1x4x900xf32, #tpu.memory_space<vmem>>, vector<1x4x900xf32>
    %get3A_8 = vector.shape_cast %get3A_7 : vector<1x4x900xf32> to vector<4x900xf32>
    %get3A_9 = arith.constant 0 : index
    %get3A_10 = arith.constant 0 : index
    %get3A_11 = arith.constant 0 : index
    %get3A_12 = vector.load %arg3[%get3A_9, %get3A_10, %get3A_11] : memref<1x4x100xf32, #tpu.memory_space<vmem>>, vector<1x4x100xf32>
    %get3A_13 = vector.shape_cast %get3A_12 : vector<1x4x100xf32> to vector<4x100xf32>
    %get3A_14 = arith.constant 0 : index
    %get3A_15 = arith.constant 0 : index
    %get3A_16 = arith.constant 0 : index
    %get3A_17 = vector.load %arg4[%get3A_14, %get3A_15, %get3A_16] : memref<1x1x100xi32, #tpu.memory_space<vmem>>, vector<1x1x100xi32>
    %get3A_18 = vector.shape_cast %get3A_17 : vector<1x1x100xi32> to vector<1x100xi32>
    %get3A_19 = arith.constant 0 : index
    %get3A_20 = arith.constant 0 : index
    %get3A_21 = arith.constant 0 : index
    %get3A_22 = vector.load %arg5[%get3A_19, %get3A_20, %get3A_21] : memref<1x100x1xi32, #tpu.memory_space<vmem>>, vector<1x100x1xi32>
    %get3A_23 = vector.shape_cast %get3A_22 : vector<1x100x1xi32> to vector<100x1xi32>
    %broadcast_in_dim3A = arith.constant 0.000000e+00 : f32
    %broadcast_in_dim3A_24 = vector.broadcast %broadcast_in_dim3A : f32 to vector<900x100xf32>
    %slice3A = vector.extract_strided_slice %get3A_8 {offsets = [0, 0], sizes = [1, 900], strides = [1, 1]} : vector<4x900xf32> to vector<1x900xf32>
    %squeeze3A = vector.shape_cast %slice3A : vector<1x900xf32> to vector<900xf32>
    %reshape3A = vector.shape_cast %squeeze3A : vector<900xf32> to vector<900x1xf32>
    %slice3A_25 = vector.extract_strided_slice %get3A_13 {offsets = [0, 0], sizes = [1, 100], strides = [1, 1]} : vector<4x100xf32> to vector<1x100xf32>
    %squeeze3A_26 = vector.shape_cast %slice3A_25 : vector<1x100xf32> to vector<100xf32>
    %reshape3A_27 = vector.shape_cast %squeeze3A_26 : vector<100xf32> to vector<1x100xf32>
    %sub3A = vector.broadcast %reshape3A : vector<900x1xf32> to vector<900x100xf32>
    %sub3A_28 = vector.broadcast %reshape3A_27 : vector<1x100xf32> to vector<900x100xf32>
    %sub3A_29 = arith.subf %sub3A, %sub3A_28 : vector<900x100xf32>
    %abs3A = math.absf %sub3A_29 : vector<900x100xf32>
    %add3A = arith.addf %broadcast_in_dim3A_24, %abs3A : vector<900x100xf32>
    %slice3A_30 = vector.extract_strided_slice %get3A_8 {offsets = [1, 0], sizes = [1, 900], strides = [1, 1]} : vector<4x900xf32> to vector<1x900xf32>
    %squeeze3A_31 = vector.shape_cast %slice3A_30 : vector<1x900xf32> to vector<900xf32>
    %reshape3A_32 = vector.shape_cast %squeeze3A_31 : vector<900xf32> to vector<900x1xf32>
    %slice3A_33 = vector.extract_strided_slice %get3A_13 {offsets = [1, 0], sizes = [1, 100], strides = [1, 1]} : vector<4x100xf32> to vector<1x100xf32>
    %squeeze3A_34 = vector.shape_cast %slice3A_33 : vector<1x100xf32> to vector<100xf32>
    %reshape3A_35 = vector.shape_cast %squeeze3A_34 : vector<100xf32> to vector<1x100xf32>
    %sub3A_36 = vector.broadcast %reshape3A_32 : vector<900x1xf32> to vector<900x100xf32>
    %sub3A_37 = vector.broadcast %reshape3A_35 : vector<1x100xf32> to vector<900x100xf32>
    %sub3A_38 = arith.subf %sub3A_36, %sub3A_37 : vector<900x100xf32>
    %abs3A_39 = math.absf %sub3A_38 : vector<900x100xf32>
    %add3A_40 = arith.addf %add3A, %abs3A_39 : vector<900x100xf32>
    %slice3A_41 = vector.extract_strided_slice %get3A_8 {offsets = [2, 0], sizes = [1, 900], strides = [1, 1]} : vector<4x900xf32> to vector<1x900xf32>
    %squeeze3A_42 = vector.shape_cast %slice3A_41 : vector<1x900xf32> to vector<900xf32>
    %reshape3A_43 = vector.shape_cast %squeeze3A_42 : vector<900xf32> to vector<900x1xf32>
    %slice3A_44 = vector.extract_strided_slice %get3A_13 {offsets = [2, 0], sizes = [1, 100], strides = [1, 1]} : vector<4x100xf32> to vector<1x100xf32>
    %squeeze3A_45 = vector.shape_cast %slice3A_44 : vector<1x100xf32> to vector<100xf32>
    %reshape3A_46 = vector.shape_cast %squeeze3A_45 : vector<100xf32> to vector<1x100xf32>
    %sub3A_47 = vector.broadcast %reshape3A_43 : vector<900x1xf32> to vector<900x100xf32>
    %sub3A_48 = vector.broadcast %reshape3A_46 : vector<1x100xf32> to vector<900x100xf32>
    %sub3A_49 = arith.subf %sub3A_47, %sub3A_48 : vector<900x100xf32>
    %abs3A_50 = math.absf %sub3A_49 : vector<900x100xf32>
    %add3A_51 = arith.addf %add3A_40, %abs3A_50 : vector<900x100xf32>
    %slice3A_52 = vector.extract_strided_slice %get3A_8 {offsets = [3, 0], sizes = [1, 900], strides = [1, 1]} : vector<4x900xf32> to vector<1x900xf32>
    %squeeze3A_53 = vector.shape_cast %slice3A_52 : vector<1x900xf32> to vector<900xf32>
    %reshape3A_54 = vector.shape_cast %squeeze3A_53 : vector<900xf32> to vector<900x1xf32>
    %slice3A_55 = vector.extract_strided_slice %get3A_13 {offsets = [3, 0], sizes = [1, 100], strides = [1, 1]} : vector<4x100xf32> to vector<1x100xf32>
    %squeeze3A_56 = vector.shape_cast %slice3A_55 : vector<1x100xf32> to vector<100xf32>
    %reshape3A_57 = vector.shape_cast %squeeze3A_56 : vector<100xf32> to vector<1x100xf32>
    %sub3A_58 = vector.broadcast %reshape3A_54 : vector<900x1xf32> to vector<900x100xf32>
    %sub3A_59 = vector.broadcast %reshape3A_57 : vector<1x100xf32> to vector<900x100xf32>
    %sub3A_60 = arith.subf %sub3A_58, %sub3A_59 : vector<900x100xf32>
    %abs3A_61 = math.absf %sub3A_60 : vector<900x100xf32>
    %add3A_62 = arith.addf %add3A_51, %abs3A_61 : vector<900x100xf32>
    %reduce_min3A = arith.constant dense<0x7F800000> : vector<100xf32>
    %reduce_min3A_63 = vector.multi_reduction <minimumf>, %add3A_62, %reduce_min3A [0] : vector<900x100xf32> to vector<100xf32>
    %broadcast_in_dim3A_64 = vector.shape_cast %reduce_min3A_63 : vector<100xf32> to vector<1x100xf32>
    %iota3A = tpu.iota {dimensions = array<i32: 0>} : vector<900x100xi32>
    %eq3A = vector.broadcast %broadcast_in_dim3A_64 : vector<1x100xf32> to vector<900x100xf32>
    %eq3A_65 = arith.cmpf oeq, %add3A_62, %eq3A : vector<900x100xf32>
    %jit3A = arith.constant 900 : i32
    %broadcast_in_dim3A_66 = vector.broadcast %jit3A : i32 to vector<900x100xi32>
    %select_n3A = arith.select %eq3A_65, %iota3A, %broadcast_in_dim3A_66 : vector<900x100xi1>, vector<900x100xi32>
    %reduce_min3A_67 = arith.constant dense<2147483647> : vector<100xi32>
    %reduce_min3A_68 = vector.multi_reduction <minsi>, %select_n3A, %reduce_min3A_67 [0] : vector<900x100xi32> to vector<100xi32>
    %broadcast_in_dim3A_69 = vector.shape_cast %reduce_min3A_68 : vector<100xi32> to vector<1x100xi32>
    %iota3A_70 = tpu.iota {dimensions = array<i32: 1>} : vector<900x100xi32>
    %eq3A_71 = vector.broadcast %broadcast_in_dim3A_69 : vector<1x100xi32> to vector<900x100xi32>
    %eq3A_72 = arith.cmpi eq, %eq3A_71, %iota3A : vector<900x100xi32>
    %jit3A_73 = arith.constant -1 : i32
    %broadcast_in_dim3A_74 = vector.broadcast %jit3A_73 : i32 to vector<900x100xi32>
    %select_n3A_75 = arith.select %eq3A_72, %iota3A_70, %broadcast_in_dim3A_74 : vector<900x100xi1>, vector<900x100xi32>
    %reduce_max3A = arith.constant dense<-2147483648> : vector<900xi32>
    %reduce_max3A_76 = vector.multi_reduction <maxsi>, %select_n3A_75, %reduce_max3A [1] : vector<900x100xi32> to vector<900xi32>
    %broadcast_in_dim3A_77 = vector.shape_cast %reduce_max3A_76 : vector<900xi32> to vector<900x1xi32>
    %eq3A_78 = vector.broadcast %broadcast_in_dim3A_77 : vector<900x1xi32> to vector<900x100xi32>
    %eq3A_79 = arith.cmpi eq, %eq3A_78, %iota3A_70 : vector<900x100xi32>
    %and3A = arith.andi %eq3A_72, %eq3A_79 : vector<900x100xi1>
    %jit3A_80 = arith.constant 1.000000e+00 : f32
    %jit3A_81 = arith.constant 0.000000e+00 : f32
    %broadcast_in_dim3A_82 = vector.broadcast %jit3A_80 : f32 to vector<900x100xf32>
    %broadcast_in_dim3A_83 = vector.broadcast %jit3A_81 : f32 to vector<900x100xf32>
    %select_n3A_84 = arith.select %and3A, %broadcast_in_dim3A_82, %broadcast_in_dim3A_83 : vector<900x100xi1>, vector<900x100xf32>
    %reduce_sum3A = arith.constant dense<0.000000e+00> : vector<100xf32>
    %reduce_sum3A_85 = vector.multi_reduction <add>, %select_n3A_84, %reduce_sum3A [0] : vector<900x100xf32> to vector<100xf32>
    %broadcast_in_dim3A_86 = vector.shape_cast %reduce_sum3A_85 : vector<100xf32> to vector<1x100xf32>
    %exp3A = math.exp %get3A_3 : vector<900x1000xf32>
    %reduce_sum3A_87 = arith.constant dense<0.000000e+00> : vector<900xf32>
    %reduce_sum3A_88 = vector.multi_reduction <add>, %exp3A, %reduce_sum3A_87 [1] : vector<900x1000xf32> to vector<900xf32>
    %broadcast_in_dim3A_89 = vector.shape_cast %reduce_sum3A_88 : vector<900xf32> to vector<900x1xf32>
    %log3A = math.log %broadcast_in_dim3A_89 : vector<900x1xf32>
    %slice3A_90 = vector.extract_strided_slice %get3A_3 {offsets = [0, 0], sizes = [900, 1], strides = [1, 1]} : vector<900x1000xf32> to vector<900x1xf32>
    %reduce_sum3A_91 = vector.shape_cast %log3A : vector<900x1xf32> to vector<1x900x1xf32>
    %reduce_sum3A_92 = arith.constant dense<0.000000e+00> : vector<1xf32>
    %reduce_sum3A_93 = vector.multi_reduction <add>, %reduce_sum3A_91, %reduce_sum3A_92 [1, 2] : vector<1x900x1xf32> to vector<1xf32>
    %reduce_sum3A_94 = vector.shape_cast %reduce_sum3A_93 : vector<1xf32> to vector<1x1x1xf32>
    %reduce_sum3A_95 = vector.extract %reduce_sum3A_94[0, 0, 0] : f32 from vector<1x1x1xf32>
    %reduce_sum3A_96 = vector.shape_cast %slice3A_90 : vector<900x1xf32> to vector<1x900x1xf32>
    %reduce_sum3A_97 = arith.constant dense<0.000000e+00> : vector<1xf32>
    %reduce_sum3A_98 = vector.multi_reduction <add>, %reduce_sum3A_96, %reduce_sum3A_97 [1, 2] : vector<1x900x1xf32> to vector<1xf32>
    %reduce_sum3A_99 = vector.shape_cast %reduce_sum3A_98 : vector<1xf32> to vector<1x1x1xf32>
    %reduce_sum3A_100 = vector.extract %reduce_sum3A_99[0, 0, 0] : f32 from vector<1x1x1xf32>
    %jit3A_101 = arith.constant 1.000000e+00 : f32
    %jit3A_102 = arith.constant 0.000000e+00 : f32
    %broadcast_in_dim3A_103 = vector.broadcast %jit3A_101 : f32 to vector<900x100xf32>
    %broadcast_in_dim3A_104 = vector.broadcast %jit3A_102 : f32 to vector<900x100xf32>
    %select_n3A_105 = arith.select %eq3A_72, %broadcast_in_dim3A_103, %broadcast_in_dim3A_104 : vector<900x100xi1>, vector<900x100xf32>
    %mul3A = vector.broadcast %log3A : vector<900x1xf32> to vector<900x100xf32>
    %mul3A_106 = arith.mulf %select_n3A_105, %mul3A : vector<900x100xf32>
    %reduce_sum3A_107 = arith.constant dense<0.000000e+00> : vector<100xf32>
    %reduce_sum3A_108 = vector.multi_reduction <add>, %mul3A_106, %reduce_sum3A_107 [0] : vector<900x100xf32> to vector<100xf32>
    %broadcast_in_dim3A_109 = vector.shape_cast %reduce_sum3A_108 : vector<100xf32> to vector<1x100xf32>
    %mul3A_110 = vector.broadcast %slice3A_90 : vector<900x1xf32> to vector<900x100xf32>
    %mul3A_111 = arith.mulf %select_n3A_105, %mul3A_110 : vector<900x100xf32>
    %reduce_sum3A_112 = arith.constant dense<0.000000e+00> : vector<100xf32>
    %reduce_sum3A_113 = vector.multi_reduction <add>, %mul3A_111, %reduce_sum3A_112 [0] : vector<900x100xf32> to vector<100xf32>
    %broadcast_in_dim3A_114 = vector.shape_cast %reduce_sum3A_113 : vector<100xf32> to vector<1x100xf32>
    %iota3A_115 = tpu.iota {dimensions = array<i32: 1>} : vector<100x1000xi32>
    %eq3A_116 = vector.broadcast %get3A_23 : vector<100x1xi32> to vector<100x1000xi32>
    %eq3A_117 = arith.cmpi eq, %iota3A_115, %eq3A_116 : vector<100x1000xi32>
    %jit3A_118 = arith.constant 1.000000e+00 : f32
    %jit3A_119 = arith.constant 0.000000e+00 : f32
    %broadcast_in_dim3A_120 = vector.broadcast %jit3A_118 : f32 to vector<100x1000xf32>
    %broadcast_in_dim3A_121 = vector.broadcast %jit3A_119 : f32 to vector<100x1000xf32>
    %select_n3A_122 = arith.select %eq3A_117, %broadcast_in_dim3A_120, %broadcast_in_dim3A_121 : vector<100x1000xi1>, vector<100x1000xf32>
    %dot_general3A = arith.constant dense<0.000000e+00> : vector<900x100xf32>
    %dot_general3A_123 = tpu.matmul %get3A_3, %select_n3A_122, %dot_general3A {dimension_numbers = #tpu.dot_dimension_numbers<[1], [1], [0], [0], [0, 0, 1, 0], [], []>, transpose_lhs_hint = false} : vector<900x1000xf32>, vector<100x1000xf32>, vector<900x100xf32> -> vector<900x100xf32>
    %mul3A_124 = arith.mulf %select_n3A_105, %dot_general3A_123 : vector<900x100xf32>
    %reduce_sum3A_125 = arith.constant dense<0.000000e+00> : vector<100xf32>
    %reduce_sum3A_126 = vector.multi_reduction <add>, %mul3A_124, %reduce_sum3A_125 [0] : vector<900x100xf32> to vector<100xf32>
    %broadcast_in_dim3A_127 = vector.shape_cast %reduce_sum3A_126 : vector<100xf32> to vector<1x100xf32>
    %reduce_sum3A_128 = vector.shape_cast %broadcast_in_dim3A_64 : vector<1x100xf32> to vector<1x1x100xf32>
    %reduce_sum3A_129 = arith.constant dense<0.000000e+00> : vector<1xf32>
    %reduce_sum3A_130 = vector.multi_reduction <add>, %reduce_sum3A_128, %reduce_sum3A_129 [1, 2] : vector<1x1x100xf32> to vector<1xf32>
    %reduce_sum3A_131 = vector.shape_cast %reduce_sum3A_130 : vector<1xf32> to vector<1x1x1xf32>
    %reduce_sum3A_132 = vector.extract %reduce_sum3A_131[0, 0, 0] : f32 from vector<1x1x1xf32>
    %div3A = arith.constant 4.000000e+02 : f32
    %div3A_133 = arith.divf %reduce_sum3A_132, %div3A : f32
    %iota3A_134 = tpu.iota {dimensions = array<i32: 1>} : vector<1x128xi32>
    %eq3A_135 = arith.constant 0 : i32
    %eq3A_136 = vector.broadcast %eq3A_135 : i32 to vector<1x128xi32>
    %eq3A_137 = arith.cmpi eq, %iota3A_134, %eq3A_136 : vector<1x128xi32>
    %jit3A_138 = arith.constant 0.000000e+00 : f32
    %broadcast_in_dim3A_139 = vector.broadcast %reduce_sum3A_95 : f32 to vector<1x128xf32>
    %broadcast_in_dim3A_140 = vector.broadcast %jit3A_138 : f32 to vector<1x128xf32>
    %select_n3A_141 = arith.select %eq3A_137, %broadcast_in_dim3A_139, %broadcast_in_dim3A_140 : vector<1x128xi1>, vector<1x128xf32>
    %eq3A_142 = arith.constant 1 : i32
    %eq3A_143 = vector.broadcast %eq3A_142 : i32 to vector<1x128xi32>
    %eq3A_144 = arith.cmpi eq, %iota3A_134, %eq3A_143 : vector<1x128xi32>
    %jit3A_145 = arith.constant 0.000000e+00 : f32
    %broadcast_in_dim3A_146 = vector.broadcast %reduce_sum3A_100 : f32 to vector<1x128xf32>
    %broadcast_in_dim3A_147 = vector.broadcast %jit3A_145 : f32 to vector<1x128xf32>
    %select_n3A_148 = arith.select %eq3A_144, %broadcast_in_dim3A_146, %broadcast_in_dim3A_147 : vector<1x128xi1>, vector<1x128xf32>
    %add3A_149 = arith.addf %select_n3A_141, %select_n3A_148 : vector<1x128xf32>
    %eq3A_150 = arith.constant 2 : i32
    %eq3A_151 = vector.broadcast %eq3A_150 : i32 to vector<1x128xi32>
    %eq3A_152 = arith.cmpi eq, %iota3A_134, %eq3A_151 : vector<1x128xi32>
    %jit3A_153 = arith.constant 0.000000e+00 : f32
    %broadcast_in_dim3A_154 = vector.broadcast %div3A_133 : f32 to vector<1x128xf32>
    %broadcast_in_dim3A_155 = vector.broadcast %jit3A_153 : f32 to vector<1x128xf32>
    %select_n3A_156 = arith.select %eq3A_152, %broadcast_in_dim3A_154, %broadcast_in_dim3A_155 : vector<1x128xi1>, vector<1x128xf32>
    %add3A_157 = arith.addf %add3A_149, %select_n3A_156 : vector<1x128xf32>
    %jit3A_158 = arith.constant 0 : i32
    %convert_element_type3A = arith.sitofp %jit3A_158 : i32 to f32
    %pad3A = vector.broadcast %convert_element_type3A : f32 to vector<1x28xf32>
    %pad3A_159 = tpu.concatenate %broadcast_in_dim3A_127, %pad3A in 1 : vector<1x100xf32>, vector<1x28xf32> -> vector<1x128xf32>
    %jit3A_160 = arith.constant 0 : i32
    %convert_element_type3A_161 = arith.sitofp %jit3A_160 : i32 to f32
    %pad3A_162 = vector.broadcast %convert_element_type3A_161 : f32 to vector<1x28xf32>
    %pad3A_163 = tpu.concatenate %broadcast_in_dim3A_86, %pad3A_162 in 1 : vector<1x100xf32>, vector<1x28xf32> -> vector<1x128xf32>
    %jit3A_164 = arith.constant 0 : i32
    %convert_element_type3A_165 = arith.sitofp %jit3A_164 : i32 to f32
    %pad3A_166 = vector.broadcast %convert_element_type3A_165 : f32 to vector<1x28xf32>
    %pad3A_167 = tpu.concatenate %broadcast_in_dim3A_109, %pad3A_166 in 1 : vector<1x100xf32>, vector<1x28xf32> -> vector<1x128xf32>
    %jit3A_168 = arith.constant 0 : i32
    %convert_element_type3A_169 = arith.sitofp %jit3A_168 : i32 to f32
    %pad3A_170 = vector.broadcast %convert_element_type3A_169 : f32 to vector<1x28xf32>
    %pad3A_171 = tpu.concatenate %broadcast_in_dim3A_114, %pad3A_170 in 1 : vector<1x100xf32>, vector<1x28xf32> -> vector<1x128xf32>
    %concatenate3A = tpu.concatenate %pad3A_159, %pad3A_163, %pad3A_167, %pad3A_171, %add3A_157 in 1 : vector<1x128xf32>, vector<1x128xf32>, vector<1x128xf32>, vector<1x128xf32>, vector<1x128xf32> -> vector<1x640xf32>
    %swap3A = arith.index_cast %arg0 : i32 to index
    %swap3A_172 = arith.constant 0 : index
    %swap3A_173 = vector.load %arg6[%swap3A, %swap3A_172] : memref<16x640xf32, #tpu.memory_space<vmem>>, vector<1x640xf32>
    tpu.vector_store %arg6[%swap3A, %swap3A_172], %concatenate3A {strides = array<i32>} : memref<16x640xf32, #tpu.memory_space<vmem>>, vector<1x640xf32>,
    %jit3A_174 = arith.constant 0 : i32
    %pad3A_175 = vector.broadcast %jit3A_174 : i32 to vector<1x12xi32>
    %pad3A_176 = tpu.concatenate %get3A_18, %pad3A_175 in 1 : vector<1x100xi32>, vector<1x12xi32> -> vector<1x112xi32>
    %swap3A_177 = arith.index_cast %arg0 : i32 to index
    %swap3A_178 = arith.constant 0 : index
    %swap3A_179 = vector.load %arg7[%swap3A_177, %swap3A_178] : memref<16x112xi32, #tpu.memory_space<vmem>>, vector<1x112xi32>
    tpu.vector_store %arg7[%swap3A_177, %swap3A_178], %pad3A_176 {strides = array<i32>} : memref<16x112xi32, #tpu.memory_space<vmem>>, vector<1x112xi32>,
    return
  }
  func.func @transform_0(%arg0: i32) -> (i32, i32, i32) {
    %c0_i32 = arith.constant 0 : i32
    %c0_i32_0 = arith.constant 0 : i32
    %c0_i32_1 = arith.constant 0 : i32
    return %arg0, %c0_i32, %c0_i32_0 : i32, i32, i32
  }
  func.func @transform_1(%arg0: i32) -> (i32, i32, i32) {
    %c0_i32 = arith.constant 0 : i32
    %c0_i32_0 = arith.constant 0 : i32
    %c0_i32_1 = arith.constant 0 : i32
    return %arg0, %c0_i32, %c0_i32_0 : i32, i32, i32
  }
  func.func @transform_2(%arg0: i32) -> (i32, i32, i32) {
    %c0_i32 = arith.constant 0 : i32
    %c0_i32_0 = arith.constant 0 : i32
    %c0_i32_1 = arith.constant 0 : i32
    return %arg0, %c0_i32, %c0_i32_0 : i32, i32, i32
  }
  func.func @transform_3(%arg0: i32) -> (i32, i32, i32) {
    %c0_i32 = arith.constant 0 : i32
    %c0_i32_0 = arith.constant 0 : i32
    %c0_i32_1 = arith.constant 0 : i32
    return %arg0, %c0_i32, %c0_i32_0 : i32, i32, i32
  }
  func.func @transform_4(%arg0: i32) -> (i32, i32, i32) {
    %c0_i32 = arith.constant 0 : i32
    %c0_i32_0 = arith.constant 0 : i32
    %c0_i32_1 = arith.constant 0 : i32
    return %arg0, %c0_i32, %c0_i32_0 : i32, i32, i32
  }
  func.func @transform_5(%arg0: i32) -> (i32, i32) {
    %c0_i32 = arith.constant 0 : i32
    %c0_i32_0 = arith.constant 0 : i32
    %c0_i32_1 = arith.constant 0 : i32
    return %c0_i32, %c0_i32_0 : i32, i32
  }
  func.func @transform_6(%arg0: i32) -> (i32, i32) {
    %c0_i32 = arith.constant 0 : i32
    %c0_i32_0 = arith.constant 0 : i32
    %c0_i32_1 = arith.constant 0 : i32
    return %c0_i32, %c0_i32_0 : i32, i32
  }
}

</mosaic_0001>

<sc_bundles>
// kernel: kernel.4.cloned.1.call-start
scs
__scs_entry_jumppad:
0x0: {  	(pc) =	sbr.rel $0x88, $3  }
0x1: {  	(tag) =	ssettag $0x0;
	lr =	simm.s32 $0x1  }
0x2: {  	[smem:$0x3F9C] =	sst lr;
	_ =	strace $0xD0000000  }
0x3: {  	_ = 	snop  }
0x4: {  	_ = 	snop  }
0x5: {  	_ = 	snop  }
0x6: {  	_ = 	snop  }
0x7: {  	_ = 	snop  }
__scs_overlays_trampoline_lowered:
0x8: {  	[smem:$0x3FAB] =	sst s0  }
0x9: {  	[smem:$0x3FAC] =	sst s1  }
0xa: {  	[smem:$0x3FAD] =	sst s2  }
0xb: {  	[smem:$0x3FAE] =	sst s3  }
0xc: {  	[smem:$0x3FAF] =	sst s4  }
0xd: {  	[smem:$0x3FB0] =	sst s5  }
0xe: {  	[smem:$0x3FB1] =	sst s6  }
0xf: {  	[smem:$0x3FB2] =	sst s7  }
0x10: {  	[smem:$0x3FB3] =	sst s8  }
0x11: {  	[smem:$0x3FB4] =	sst s9;
	s0 =	simm.s32 @!p0 $0x0  }
0x12: {  	s1 =	sld [smem:$0x3F9A];
	s0 =	simm.s32 @p0 $0x1  }
0x13: {  	[smem:$0x3FB5] =	sst s0;
	s0 =	simm.s32 @!p1 $0x0  }
0x14: {  	s2 =	sld [smem:$0x3F99];
	s0 =	simm.s32 @p1 $0x1  }
0x15: {  	[smem:$0x3FB6] =	sst s0;
	s0 =	simm.s32 @!p2 $0x0  }
0x16: {  	s3 =	sld [smem:$0x3FDB];
	s0 =	simm.s32 @p2 $0x1  }
0x17: {  	s4 =	simm.s32 $0x1BF5;
	[smem:$0x3FB8] =	sst s0  }
0x18: {  	s0 =	sld [smem:$0x3F9B];
	_ =	swait.ge [sflag:s4], $0x0  }
0x19: {  	s7 =	sld [smem:$0x3F9C]  }
0x1a: {  	s8 =	sadd.s32 $0xFFFFE003, lr  }
0x1b: {  	s9 =	sadd.s32 $0xFFFFFEF7, lr;
	s5 =	simm.s32 $0xFFFFFFFF;
	p2 =	slt.u32 s8, $0xFFFFF086  }
0x1c: {  	p1 =	slt.u32 s9, $0xF7A;
	s5 =	simm.s32 @!p2 $0x0  }
0x1d: {  	s5 =	simm.s32 @p1 $0x1;
	p0 =	seq.s32 s7, s2  }
0x1e: {  	s7 =	smul.u32 @!p0 $0xF7A, s2;
	p2 =	seq.s32 @!p0 s5, $0x0  }
0x1f: {  	s9 =	smul.u32 $0xF7A, s1;
	s8 =	simm.s32 @!p0 $0x1BF5;
	p2 =	por !p2, p0  }
0x20: {  	[sflag:s8] =	ssyncset.s32 @!p0 $0xFFFFF086;
	s6 =	sadd.s32 @!p0 s3, s7;
	s7 =	simm.s32 @!p0 $0x108  }
0x21: {  	s3 =	sadd.s32 s3, s9;
	s6 =	sadd.s32 @!p0 $0x88, s6;
	s7 =	simm.s32 @p2 $0x1082  }
0x22: {  	[simem:s7], [sflag:s8] =	dma.local @!p0 [hbm:s6], $0xF7A  }
0x23: {  	s9 =	sor.u32 $0xD0000000, s2;
	s6 =	simm.s32 $0x108;
	_ =	swait.ge @!p0 [sflag:s8], $0x0  }
0x24: {  	s3 =	sadd.s32 $0x88, s3;
	s6 =	simm.s32 @!p1 $0x1082;
	[sflag:s4] =	ssyncset.s32 $0xFFFFF086  }
0x25: {  	[simem:s6], [sflag:s4] =	dma.local [hbm:s3], $0xF7A  }
0x26: {  	[smem:$0x3F9C] =	sst s1;
	(tag) =	ssettag s2;
	_ =	strace s9  }
0x27: {  	s1 =	sld [smem:$0x3FAC]  }
0x28: {  	s2 =	sld [smem:$0x3FAD]  }
0x29: {  	s4 =	sld [smem:$0x3FAF]  }
0x2a: {  	p0 =	seq.s32 s5, $0x0;
	s5 =	sld [smem:$0x3FB0]  }
0x2b: {  	s6 =	sld [smem:$0x3FB1]  }
0x2c: {  	s7 =	sld [smem:$0x3FB2]  }
0x2d: {  	s3 =	simm.s32 $0x108;
	s8 =	sld [smem:$0x3FB3]  }
0x2e: {  	s3 =	simm.s32 @!p0 $0x1082;
	s9 =	sld [smem:$0x3FB4]  }
0x2f: {  	lr =	sadd.s32 s0, s3;
	s0 =	sld [smem:$0x3FAB]  }
0x30: {  	s3 =	sld [smem:$0x3FAE]  }
0x31: {  	[smem:$0x3FB7] =	sst s10  }
0x32: {  	s10 =	sld [smem:$0x3FB5];
	_ =	sdelay $0x3  }
0x33: {  	p0 =	seq.s32 s10, $0x1;
	s10 =	sld [smem:$0x3FB7];
	_ =	sdelay $0x3  }
0x34: {  	[smem:$0x3FB7] =	sst s10  }
0x35: {  	s10 =	sld [smem:$0x3FB6];
	_ =	sdelay $0x3  }
0x36: {  	p1 =	seq.s32 s10, $0x1;
	s10 =	sld [smem:$0x3FB7];
	_ =	sdelay $0x3  }
0x37: {  	[smem:$0x3FB7] =	sst s10  }
0x38: {  	s10 =	sld [smem:$0x3FB8]  }
0x39: {  	_ = 	snop;
	(pc) =	sbr.ind lr, $3  }
0x3a: {  	_ = 	snop  }
0x3b: {  	_ = 	snop  }
0x3c: {  	p2 =	seq.s32 s10, $0x1;
	s10 =	sld [smem:$0x3FB7]  }
0x3d: {  	_ =	shalt  }
0x3e: {  	_ =	shalt  }
0x3f: {  	_ =	shalt  }
0x40: {  	_ =	shalt  }
0x41: {  	_ =	shalt  }
0x42: {  	_ =	shalt  }
0x43: {  	_ =	shalt  }
0x44: {  	_ =	shalt  }
0x45: {  	_ =	shalt  }
0x46: {  	_ =	shalt  }
0x47: {  	_ =	shalt  }
0x48: {  	_ =	shalt  }
0x49: {  	_ =	shalt  }
0x4a: {  	_ =	shalt  }
0x4b: {  	_ =	shalt  }
0x4c: {  	_ =	shalt  }
0x4d: {  	_ =	shalt  }
0x4e: {  	_ =	shalt  }
0x4f: {  	_ =	shalt  }
0x50: {  	_ =	shalt  }
0x51: {  	_ =	shalt  }
0x52: {  	_ =	shalt  }
0x53: {  	_ =	shalt  }
0x54: {  	_ =	shalt  }
0x55: {  	_ =	shalt  }
0x56: {  	_ =	shalt  }
0x57: {  	_ =	shalt  }
0x58: {  	_ =	shalt  }
0x59: {  	_ =	shalt  }
0x5a: {  	_ =	shalt  }
0x5b: {  	_ =	shalt  }
0x5c: {  	_ =	shalt  }
0x5d: {  	_ =	shalt  }
0x5e: {  	_ =	shalt  }
0x5f: {  	_ =	shalt  }
0x60: {  	_ =	shalt  }
0x61: {  	_ =	shalt  }
0x62: {  	_ =	shalt  }
0x63: {  	_ =	shalt  }
0x64: {  	_ =	shalt  }
0x65: {  	_ =	shalt  }
0x66: {  	_ =	shalt  }
0x67: {  	_ =	shalt  }
0x68: {  	_ =	shalt  }
0x69: {  	_ =	shalt  }
0x6a: {  	_ =	shalt  }
0x6b: {  	_ =	shalt  }
0x6c: {  	_ =	shalt  }
0x6d: {  	_ =	shalt  }
0x6e: {  	_ =	shalt  }
0x6f: {  	_ =	shalt  }
0x70: {  	_ =	shalt  }
0x71: {  	_ =	shalt  }
0x72: {  	_ =	shalt  }
0x73: {  	_ =	shalt  }
0x74: {  	_ =	shalt  }
0x75: {  	_ =	shalt  }
0x76: {  	_ =	shalt  }
0x77: {  	_ =	shalt  }
0x78: {  	_ =	shalt  }
0x79: {  	_ =	shalt  }
0x7a: {  	_ =	shalt  }
0x7b: {  	_ =	shalt  }
0x7c: {  	_ =	shalt  }
0x7d: {  	_ =	shalt  }
0x7e: {  	_ =	shalt  }
0x7f: {  	_ =	shalt  }
0x80: {  	_ =	shalt  }
0x81: {  	_ =	shalt  }
0x82: {  	_ =	shalt  }
0x83: {  	_ =	shalt  }
0x84: {  	_ =	shalt  }
0x85: {  	_ =	shalt  }
0x86: {  	_ =	shalt  }
0x87: {  	_ =	shalt  }
.Lfunc_end0:
.L_simem_size_0:
called_computation_lowered:
.L_overlay_start_0:
0x88: {  	s2 =	sld [smem:$0x3FD9]  }
0x89: {  	s3 =	sld [smem:$0x3FFE];
	_ =	sdelay $0x1  }
0x8a: {  	s1 =	srdreg.scid  }
0x8b: {  	s0 =	sand.u32 $0x1, s1  }
0x8c: {  	s17 =	sshll.u32 s0, $0xA;
	s2 =	sadd.s32 s3, s2  }
0x8d: {  	s2 =	sadd.s32 s2, s17  }
0x8e: {  	[smem:$0x3FC3] =	sst s2  }
0x8f: {  	_ = 	snop  }
0x90: {  	s2 =	sld [smem:$0x3FC5]  }
0x91: {  	s18 =	sld [smem:$0x3FD0];
	(tm) =	ssettm $0x1  }
0x92: {  	s4 =	sld [smem:$0x3FFB];
	_ =	sdelay $0x3  }
0x93: {  	_ =	strace s4  }
0x94: {  	s4 =	sld [smem:$0x3FFC];
	_ =	sdelay $0x3  }
0x95: {  	_ =	strace s4  }
0x96: {  	s4 =	sld [smem:$0x3FFD];
	_ =	sdelay $0x3  }
0x97: {  	_ =	strace s4  }
0x98: {  	_ =	strace $0x8FFFFFFF  }
0x99: {  	s19 =	sld [smem:$0x3FDB];
	_ =	sdelay $0x1  }
0x9a: {  	s5 =	simm.s32 $_scs_section_size  }
0x9b: {  	s6 =	simm.s32 $_size__tile_overlayer_lowered;
	s7 =	simm.s32 $_tile_overlayer_lowered  }
0x9c: {  	s22 =	simm.s32 $0x1BFF;
	s21 =	sshll.u32 s7, $0x1;
	s4 =	sadd.s32 s5, s19  }
0x9d: {  	s8 =	simm.s32 $0x0;
	s20 =	sshll.u32 s6, $0x1;
	s6 =	sadd.s32 s21, s4  }
0x9e: {  	[timem:s8], [sflag:s22] =	dma.local [hbm:s6], s20  }
0x9f: {  	_ =	swait.ge [sflag:s22], s20  }
0xa0: {  	s5 =	ssub.s32 $0x0, s20;
	[sflag:s22] =	ssyncset.done $0x0  }
0xa1: {  	[sflag:s22] =	ssyncadd.s32 s5;
	_ =	sdelay $0x1  }
0xa2: {  	s23 =	simm.s32 $0x1B8B  }
0xa3: {  	_ =	swait.ge [sflag:s23], $0x1  }
0xa4: {  	[sflag:s23] =	ssyncset.done $0x0  }
0xa5: {  	s25 =	simm.s32 $0x1B8E;
	s24 =	sld [smem:$0x3FFE];
	[sflag:s23] =	ssyncadd.s32 $0xFFFFFFFF  }
0xa6: {  	s26 =	simm.s32 $execute0_lowered;
	[smem:$0x3FD2] =	sst s25  }
0xa7: {  	s6 =	sshll.u32 s26, $0x1;
	_ =	strace $0x80000046;
	[dreg:$0x1] =	wrdreg $0xFFFFFFFF  }
0xa8: {  	s28 =	simm.s32 $_size_execute0_lowered;
	s4 =	sadd.s32 s4, s6;
	[dreg:$0x0] =	wrdreg $0x0  }
0xa9: {  	s6 =	sshll.u32 s28, $0x1;
	[dreg:$0x2] =	wrdreg s4  }
0xaa: {  	[dreg:$0x3] =	wrdreg s6  }
0xab: {  	[dreg:$0x4] =	wrdreg $0xC0  }
0xac: {  	_ =	task [dreg:s8], $0x5FFFF  }
0xad: {  	[dreg:$0x1] =	wrdreg $0xFFFFFFFF  }
0xae: {  	[dreg:$0x0] =	wrdreg $0x60  }
0xaf: {  	[dreg:$0x2] =	wrdreg s2  }
0xb0: {  	[dreg:$0x3] =	wrdreg s24  }
0xb1: {  	[dreg:$0x4] =	wrdreg s18  }
0xb2: {  	[dreg:$0x5] =	wrdreg $0x9  }
0xb3: {  	_ =	task.clear_ibuf [dreg:s8], $0x6FFFF;
	_ =	strace $0x90000046  }
0xb4: {  	s29 =	simm.s32 $0x9;
	_ =	strace $0x80000048  }
0xb5: {  	_ =	swait.ge [sflag:s29], $0x1  }
0xb6: {  	[sflag:s29] =	ssyncadd.s32 $0xFFFFFFFF  }
0xb7: {  	_ =	strace $0x90000048  }
0xb8: {  	_ =	sfence  }
0xb9: {  	s30 =	sld [smem:$0x0];
	_ =	sdelay $0x2  }
0xba: {  	s31 =	sshll.u32 s1, $0xD;
	s1 =	sshrl.u32 s1, $0x2  }
0xbb: {  	s3 =	sand.u32 $0x4000, s31;
	s1 =	sadd.s32 s1, s30  }
0xbc: {  	s0 =	sor.u32 s3, s0;
	s1 =	sshll.u32 s1, $0x11  }
0xbd: {  	s0 =	sor.u32 s1, s0  }
0xbe: {  	s0 =	sadd.s32 $0x8F2B, s0  }
0xbf: {  	[sflag:s0] =	ssyncadd.remote.s32 $0x1  }
0xc0: {  	_ =	sfence.sel $0xFFFF  }
0xc1: {  	[dreg:$0x0] =	wrdreg $0xFFFFFFFF;
	(pc) =	sbr.abs _section_cstart, $3  }
0xc2: {  	[dreg:$0x1] =	wrdreg $0xFFFFFFFF  }
0xc3: {  	_ =	task.clear_ibuf [dreg:s8], $0x2FFFF;
	_ =	strace $0x9FFFFFFF  }
0xc4: {  	(tm) =	ssettm $0x7FFFFFFF  }
0xc5: {  	_ =	shalt  }
tec
execute0_lowered:
.L_overlay_start_1:
0x0: {  	(tag) =	ssettag $0x1  }
0x1: {  	s1 =	rddreg [dreg:$0x0]  }
0x2: {  	s5 =	rddreg [dreg:$0x1]  }
0x3: {  	v0 =	vimm.s32 $0xEFCDAB89;
	s3 =	rddreg [dreg:$0x2];
	s0 =	stileid.u32;
	v1 =	vimm.s32 $0x67452301  }
0x4: {  	v2 =	vimm.s32 $0xDCFE98BA;
	s2 =	rddreg [dreg:$0x3];
	s4 =	simm.s32 $0x0;
	v3 =	vimm.s32 $0x54761032;
	s9 =	srdreg.scid;
	v4 =	vimm.s32 $0xBA98FEDC  }
0x5: {  	v5 =	vimm.s32 $0x32107654;
	v6 =	vimm.s32 $0xFEDCBA98;
	s12 =	simm.s32 $0x300;
	s13 =	simm.s32 $0x400;
	s15 =	simm.s32 $0x1  }
0x6: {  	v7 =	vimm.s32 $0x76543210;
	s16 =	simm.s32 $0x380;
	v0 =	vunpack.c.l.s4.s8 v0;
	s6 =	sshrl.u32 s0, $0x3;
	v1 =	vunpack.c.l.s4.s8 v1;
	[smem:$0x7FF] =	sst s4  }
0x7: {  	v2 =	vunpack.c.l.s4.s8 v2;
	s7 =	sshll.u32 s0, $0x7;
	v3 =	vunpack.c.l.s4.s8 v3;
	s10 =	sand.u32 $0x1, s9;
	v4 =	vunpack.c.l.s4.s8 v4;
	s8 =	smul.u32 $0x1400, s6  }
0x8: {  	v5 =	vunpack.c.l.s4.s8 v5;
	v6 =	vunpack.c.l.s4.s8 v6;
	_ =	strace $0x80000047;
	s7 =	sand.u32 $0x380, s7;
	s6 =	sshll.u32 s6, $0xA;
	v0 =	vunpack.c.0.s8.s32 v0  }
0x9: {  	s30 =	ssub.s32 $0x2, s10;
	s14 =	sor.u32 s0, s10;
	p0 =	sne.s32 s10, $0x0;
	v1 =	vunpack.c.0.s8.s32 v1;
	v2 =	vunpack.c.0.s8.s32 v2;
	v3 =	vunpack.c.0.s8.s32 v3  }
0xa: {  	v7 =	vunpack.c.l.s4.s8 v7;
	s10 =	simm.s32 $0x2;
	s6 =	sor.u32 s7, s6;
	v4 =	vunpack.c.0.s8.s32 v4;
	v5 =	vunpack.c.0.s8.s32 v5;
	p1 =	sne.s32 s14, $0x0  }
.Ltmp0:
0xb: {  	s11 =	sshrl.u32 s30, $0x1;
	s14 =	simm.s32 $0x80;
	vm0 =	vmmov @!p1 $0x1;
	v1 =	vcombine.low v1, v0;
	v2 =	vcombine.low v3, v2;
	(pc) =	sbr.rel .LBB2_1-.Ltmp0, $4  }
0xc: {  	s8 =	sor.u32 s7, s8;
	s29 =	sshrl.u32 s6, $0x3;
	s11 =	ssub.s32 s30, s11;
	v3 =	vunpack.c.0.s8.s32 v6;
	v0 =	vimm.s32 $0xF;
	v4 =	vcombine.low v5, v4  }
0xd: {  	s8 =	sshrl.u32 s8, $0x3;
	s31 =	sadd.s32 s29, s5;
	s9 =	smax.u32 s11, $0x1;
	v5 =	vunpack.c.0.s8.s32 v7;
	v7 =	vimm.s32 $0x2;
	v1 =	vand.u32 $0xF, v1  }
0xe: {  	s11 =	simm.s32 $0x70;
	s28 =	sadd.s32 s8, s5;
	s5 =	sadd.s32 $0x1C00, s5;
	v2 =	vand.u32 $0xF, v2;
	v6 =	vand.u32 $0xF, v3;
	v3 =	vand.u32 $0xF, v4  }
0xf: {  	s6 =	sadd.s32 $0x1A00, s31;
	s7 =	sadd.s32 $0x1400, s28;
	s8 =	sadd.s32 s5, s29;
	v4 =	vcombine.low v6, v5;
	v5 =	vimm.s32 $0x0;
	v6 =	vimm.s32 $0x1  }
.LBB2_3:
0x10: {  	[bflag:$0x0] =	sbarrier.arrive $0xFFFF;
	s17 =	simm.s32 @!p1 $0x0;
	s18 =	simm.s32 @!p1 $0x400  }
0x11: {  	[tilespmem:s18], [sflag:$0x2] =	stream.linear.gather @!p1 [hbm4b:s5+s17], $0x800, $0x38;
	[tilespmem:$0xC00] =	vst v63  }
0x12: {  	s18 =	simm.s32 @!p1 $0x2  }
0x13: {  	_ =	swait.ge @!p1 [sflag:s18], $0x800  }
0x14: {  	[sflag:s18] =	ssyncset.done @!p1 $0x0  }
0x15: {  	[sflag:s18] =	ssyncadd.s32 @!p1 $0xFFFFF800  }
0x16: {  	v8 =	vld @!p1 [tilespmem:$0x400];
	_ =	sdelay $0x1  }
0x17: {  	v9 =	vld @!p1 [tilespmem:$0x480];
	_ =	sdelay $0x1  }
0x18: {  	v10 =	vld @!p1 [tilespmem:$0x500]  }
0x19: {  	v8 =	vadd.f32 @!p1 $0.0e+00, v8  }
0x1a: {  	v11 =	vld @!p1 [tilespmem:$0x580]  }
0x1b: {  	v8 =	vadd.f32 @!p1 v9, v8  }
0x1c: {  	v9 =	vld @!p1 [tilespmem:$0x600]  }
0x1d: {  	v8 =	vadd.f32 @!p1 v10, v8  }
0x1e: {  	v10 =	vld @!p1 [tilespmem:$0x680]  }
0x1f: {  	v8 =	vadd.f32 @!p1 v11, v8  }
0x20: {  	v11 =	vld @!p1 [tilespmem:$0x700]  }
0x21: {  	v8 =	vadd.f32 @!p1 v9, v8  }
0x22: {  	v9 =	vld @!p1 [tilespmem:$0x780]  }
0x23: {  	v8 =	vadd.f32 @!p1 v10, v8  }
0x24: {  	v10 =	vld @!p1 [tilespmem:$0x800]  }
0x25: {  	v8 =	vadd.f32 @!p1 v11, v8  }
0x26: {  	v11 =	vld @!p1 [tilespmem:$0x880]  }
0x27: {  	v8 =	vadd.f32 @!p1 v9, v8  }
0x28: {  	v9 =	vld @!p1 [tilespmem:$0x900]  }
0x29: {  	v8 =	vadd.f32 @!p1 v10, v8  }
0x2a: {  	v10 =	vld @!p1 [tilespmem:$0x980]  }
0x2b: {  	v8 =	vadd.f32 @!p1 v11, v8  }
0x2c: {  	v11 =	vld @!p1 [tilespmem:$0xA00]  }
0x2d: {  	v8 =	vadd.f32 @!p1 v9, v8  }
0x2e: {  	v9 =	vld @!p1 [tilespmem:$0xA80]  }
0x2f: {  	v8 =	vadd.f32 @!p1 v10, v8  }
0x30: {  	v10 =	vld @!p1 [tilespmem:$0xB00]  }
0x31: {  	v8 =	vadd.f32 @!p1 v11, v8  }
0x32: {  	v11 =	vld @!p1 [tilespmem:$0xB80]  }
0x33: {  	v8 =	vadd.f32 @!p1 v9, v8;
	_ =	sdelay $0x1  }
0x34: {  	v8 =	vadd.f32 @!p1 v10, v8;
	_ =	sdelay $0x1  }
0x35: {  	v8 =	vadd.f32 @!p1 v11, v8  }
0x36: {  	s9 =	sadd.s32 $0xFFFFFFFF, s9  }
0x37: {  	p2 =	sne.s32 s9, $0x0;
	v8 =	vnsel @!p1 vm0, $0x0, v8  }
.Ltmp1:
0x38: {  	s19 =	simm.s32 @!p1 $0x380;
	[tilespmem:$0x380] =	vst @!p1 v8;
	(pc) =	sbr.rel @!p2 .LBB2_4-.Ltmp1, $4  }
0x39: {  	[hbm4b:s3+s17] =	stream.linear.scatter @!p1 [tilespmem:s19], [sflag:$0x2], $0x80, $0x38;
	[tilespmem:$0xC00] =	vst v63  }
0x3a: {  	_ =	swait.ge @!p1 [sflag:s18], $0x80  }
0x3b: {  	[sflag:s18] =	ssyncset.done @!p1 $0x0  }
0x3c: {  	[sflag:s18] =	ssyncadd.s32 @!p1 $0xFFFFFF80  }
.LBB2_1:
.Ltmp2:
0x3d: {  	(pc) =	sbr.rel @p0 .LBB2_3-.Ltmp2, $1  }
0x3e: {  	_ =	sdelay $0x3  }
0x3f: {  	[tilespmem:s4], [sflag:$0x2] =	stream.linear.gather [hbm4b:s6+s4], $0x80, $0x38;
	[tilespmem:$0xC00] =	vst v63  }
0x40: {  	_ =	swait.ge [sflag:s10], $0x80  }
0x41: {  	[sflag:s10] =	ssyncset.done $0x0  }
0x42: {  	[sflag:s10] =	ssyncadd.s32 $0xFFFFFF80  }
0x43: {  	[tilespmem:s12], [sflag:$0x1] =	stream.indirect.gather [hbm4b:s1+s11], $0x1, s4, s11, $0xb8;
	[tilespmem:$0xC00] =	vst v63  }
0x44: {  	_ = 	snop  }
0x45: {  	[tilespmem:s14], [sflag:$0x2] =	stream.strided.gather [hbm4b:s7+s14], $0x280, s13, s14, $0x38;
	[tilespmem:$0xC00] =	vst v63  }
0x46: {  	_ =	swait.ge [sflag:s10], $0x280  }
0x47: {  	[sflag:s10] =	ssyncset.done $0x0  }
0x48: {  	[sflag:s10] =	ssyncadd.s32 $0xFFFFFD80  }
0x49: {  	_ =	swait.ge [sflag:s15], $0x70  }
0x4a: {  	[sflag:s15] =	ssyncset.done $0x0  }
0x4b: {  	[sflag:s15] =	ssyncadd.s32 $0xFFFFFF90  }
0x4c: {  	v8 =	vld [tilespmem:$0x360]  }
0x4d: {  	v9 =	vld [tilespmem:$0x80]  }
0x4e: {  	v10 =	vld [tilespmem:$0x100]  }
0x4f: {  	v11 =	vld [tilespmem:$0x180]  }
0x50: {  	v12 =	vld [tilespmem:$0x200]  }
0x51: {  	v13 =	vld [tilespmem:$0x300]  }
0x52: {  	v14 =	vld [tilespmem:$0x90]  }
0x53: {  	v15 =	vld [tilespmem:$0x110]  }
0x54: {  	v16 =	vld [tilespmem:$0x190]  }
0x55: {  	v17 =	vld [tilespmem:$0x210]  }
0x56: {  	v18 =	vld [tilespmem:$0x310]  }
0x57: {  	v19 =	vld [tilespmem:$0xA0]  }
0x58: {  	v20 =	vld [tilespmem:$0x120]  }
0x59: {  	v21 =	vld [tilespmem:$0x1A0]  }
0x5a: {  	v23 =	vld [tilespmem:$0x220]  }
0x5b: {  	v24 =	vld [tilespmem:$0x320]  }
0x5c: {  	v40 =	vld [tilespmem:$0xB0]  }
0x5d: {  	v26 =	vld [tilespmem:$0x130]  }
0x5e: {  	v27 =	vld [tilespmem:$0x1B0]  }
0x5f: {  	v41 =	vld [tilespmem:$0x230]  }
0x60: {  	v42 =	vld [tilespmem:$0x330];
	v22 =	vmul.f32 v13, v10;
	v9 =	vsub.f32 v11, v9  }
0x61: {  	v50 =	vld [tilespmem:$0x1C0]  }
0x62: {  	v55 =	vld [tilespmem:$0x240];
	v9 =	vmul.f32 v22, v9;
	v22 =	vperm.xlane v8, v0  }
0x63: {  	v63 =	vld [tilespmem:$0x1D0];
	v11 =	vsub.f32 v11, v12;
	v14 =	vsub.f32 v16, v14  }
0x64: {  	v31 =	vld [tilespmem:$0x250];
	v25 =	vmul.f32 v18, v15;
	v16 =	vsub.f32 v16, v17;
	v13 =	vsub.f32 v13, v22  }
0x65: {  	v46 =	vmul.f32 v24, v20;
	v19 =	vsub.f32 v21, v19;
	v21 =	vsub.f32 v21, v23  }
0x66: {  	v60 =	vld [tilespmem:$0xD0];
	v11 =	vmul.f32 v11, v10;
	v45 =	vsub.f32 v18, v22;
	v10 =	vmul.f32 v13, v10  }
0x67: {  	v47 =	vld [tilespmem:$0x340];
	v12 =	vsub.f32 v27, v40;
	v17 =	vsub.f32 v27, v41;
	v43 =	vmul.f32 v16, v15  }
0x68: {  	v28 =	vld [tilespmem:$0x140];
	v49 =	vsub.f32 v24, v22;
	v15 =	vmul.f32 v45, v15;
	v10 =	vadd.f32 $0.0e+00, v10  }
0x69: {  	v52 =	vld [tilespmem:$0x350];
	v51 =	vmul.f32 v42, v26;
	v35 =	vsub.f32 v50, v55;
	v40 =	vsub.f32 v63, v31  }
0x6a: {  	v54 =	vsub.f32 v42, v22;
	v53 =	vmul.f32 v49, v20;
	v10 =	vadd.f32 v15, v10  }
0x6b: {  	v57 =	vld [tilespmem:$0x150];
	v41 =	vsub.f32 v63, v60;
	v14 =	vmul.f32 v25, v14;
	v48 =	vmul.f32 v46, v19  }
0x6c: {  	v59 =	vsub.f32 v47, v22;
	v58 =	vmul.f32 v54, v26;
	v10 =	vadd.f32 v53, v10  }
0x6d: {  	v61 =	vld [tilespmem:$0x160];
	v56 =	vmul.f32 v21, v20;
	v12 =	vmul.f32 v51, v12;
	v11 =	vadd.f32 $0.0e+00, v11  }
0x6e: {  	v44 =	vld [tilespmem:$0xC0];
	v30 =	vsub.f32 v52, v22;
	v62 =	vmul.f32 v59, v28;
	v10 =	vadd.f32 v58, v10  }
0x6f: {  	v33 =	vld [tilespmem:$0x1E0];
	v17 =	vmul.f32 v17, v26;
	v9 =	vadd.f32 $0.0e+00, v9;
	v34 =	vsub.f32 v8, v22  }
0x70: {  	v36 =	vld [tilespmem:$0x260];
	v11 =	vadd.f32 v43, v11;
	v32 =	vmul.f32 v30, v57;
	v10 =	vadd.f32 v62, v10  }
0x71: {  	v39 =	vmul.f32 v35, v28;
	v42 =	vmul.f32 v52, v57;
	v9 =	vadd.f32 v14, v9  }
0x72: {  	v37 =	vld [tilespmem:$0xE0];
	v38 =	vmul.f32 v61, v34;
	v11 =	vadd.f32 v56, v11;
	v10 =	vadd.f32 v32, v10  }
0x73: {  	v13 =	vmul.f32 v47, v28;
	v14 =	vsub.f32 v50, v44;
	v9 =	vadd.f32 v48, v9  }
0x74: {  	v8 =	vmul.f32 v61, v8;
	v11 =	vadd.f32 v17, v11;
	v10 =	vadd.f32 v38, v10  }
0x75: {  	v43 =	vsub.f32 v33, v36;
	v13 =	vmul.f32 v13, v14;
	v9 =	vadd.f32 v12, v9  }
0x76: {  	v14 =	vmul.f32 v40, v57;
	v11 =	vadd.f32 v39, v11;
	v44 =	vperm.xlane v10, v1  }
0x77: {  	v15 =	vsub.f32 v33, v37;
	v12 =	vmul.f32 v43, v61;
	v9 =	vadd.f32 v13, v9  }
0x78: {  	v13 =	vmul.f32 v42, v41;
	v11 =	vadd.f32 v14, v11;
	v10 =	vadd.f32 v44, v10  }
0x79: {  	v8 =	vmul.f32 v15, v8  }
0x7a: {  	v9 =	vadd.f32 v13, v9;
	v11 =	vadd.f32 v12, v11;
	v45 =	vperm.xlane v10, v2;
	_ =	sdelay $0x1  }
0x7b: {  	v8 =	vadd.f32 v8, v9;
	v46 =	vperm.xlane v11, v1;
	v10 =	vadd.f32 v45, v10;
	_ =	sdelay $0x1  }
0x7c: {  	v47 =	vperm.xlane v8, v1;
	v9 =	vadd.f32 v46, v11;
	v48 =	vperm.xlane v10, v3;
	_ =	sdelay $0x1  }
0x7d: {  	v8 =	vadd.f32 v8, v47;
	v49 =	vperm.xlane v9, v2;
	v10 =	vadd.f32 v48, v10;
	_ =	sdelay $0x1  }
0x7e: {  	v50 =	vperm.xlane v8, v2;
	v9 =	vadd.f32 v49, v9;
	v51 =	vperm.xlane v10, v4  }
0x7f: {  	v53 =	vmul.f32 $9.000000000e+02, v22  }
0x80: {  	v55 =	vld [tilespmem:$0x280];
	v8 =	vadd.f32 v8, v50;
	v52 =	vperm.xlane v9, v3;
	v10 =	vadd.f32 v51, v10;
	_ =	sdelay $0x1  }
0x81: {  	v54 =	vperm.xlane v8, v3;
	v9 =	vadd.f32 v52, v9;
	v10 =	vadd.f32 v10, v53;
	_ =	sdelay $0x1  }
0x82: {  	v8 =	vadd.f32 v8, v54;
	v11 =	vperm.xlane v9, v4;
	(erf) = vrcp.f32 v10  }
0x83: {  	v57 =	vperm.xlane v55, v5  }
0x84: {  	v58 =	vperm.xlane v55, v6;
	v56 =	vperm.xlane v8, v4;
	v9 =	vadd.f32 v11, v9;
	_ =	sdelay $0x1  }
0x85: {  	v59 =	vsub.f32 v57, v58;
	v8 =	vadd.f32 v8, v56;
	v9 =	vmul.f32 v9, v22;
	_ =	sdelay $0x1  }
0x86: {  	v60 =	vmul.f32 v59, v22;
	v8 =	vsub.f32 v8, v9;
	_ =	sdelay $0x1  }
0x87: {  	v8 =	vadd.f32 v60, v8  }
0x88: {  	v61 =	vpop (erf)  }
0x89: {  	v62 =	vperm.xlane v55, v7;
	v8 =	vmul.f32 v8, v61;
	_ =	sdelay $0x1  }
0x8a: {  	v63 =	vmul.f32 $5.000000000e+00, v62;
	v8 =	vadd.f32 v8, v8;
	_ =	sdelay $0x1  }
0x8b: {  	v8 =	vadd.f32 v8, v63;
	_ =	sdelay $0x1  }
0x8c: {  	v8 =	vmul.f32 $6.250000000e-02, v8;
	_ =	sdelay $0x1  }
.Ltmp3:
0x8d: {  	[tilespmem:$0x380] =	vst v8;
	(pc) =	sbr.rel .LBB2_3-.Ltmp3, $4  }
0x8e: {  	[hbm4b:s8+s4] =	stream.linear.scatter [tilespmem:s16], [sflag:$0x2], $0x80, $0x38;
	[tilespmem:$0xC00] =	vst v63  }
0x8f: {  	_ =	swait.ge [sflag:s10], $0x80  }
0x90: {  	[sflag:s10] =	ssyncset.done $0x0  }
0x91: {  	[sflag:s10] =	ssyncadd.s32 $0xFFFFFF80  }
.LBB2_4:
0x92: {  	_ =	sfence.sel $0x180000  }
0x93: {  	[bflag:$0x0] =	sbarrier.arrive $0xFFFF  }
0x94: {  	p0 =	sne.s32 s0, $0x0;
	_ =	strace $0x90000047  }
0x95: {  	s0 =	sadd.s32 @!p0 $0x100000, s2;
	[bflag:$0x2] =	sbarrier.arrive $0xFFFF  }
0x96: {  	[sflag:s0] =	ssyncadd.tile.s32 @!p0 $0x1;
	_ =	shalt  }
.Lfunc_end2:
_tile_overlayer_lowered:
.L_overlay_start_2:
0x97: {  	(tag) =	ssettag $0x2  }
0x98: {  	s0 =	rddreg [dreg:$0x0];
	s2 =	stileid.u32  }
0x99: {  	s1 =	rddreg [dreg:$0x1];
	p0 =	sne.s32 s2, $0x0  }
0x9a: {  	s3 =	rddreg [dreg:$0x2];
	[bflag:$0x3] =	sbarrier.arrive $0xFFFF;
	s2 =	simm.s32 @!p0 $0x1C02  }
0x9b: {  	[timem:s3], [sflag:s2] =	dma.local @!p0 [hbm:s0], s1  }
0x9c: {  	s0 =	simm.s32 @!p0 $0x2  }
0x9d: {  	_ =	swait.ge @!p0 [sflag:s0], s1  }
0x9e: {  	s1 =	ssub.s32 @!p0 $0x0, s1;
	[sflag:s0] =	ssyncset.done @!p0 $0x0  }
0x9f: {  	[sflag:s0] =	ssyncadd.s32 @!p0 s1  }
0xa0: {  	[bflag:$0x3] =	sbarrier.arrive $0xFFFF  }
0xa1: {  	_ =	shalt  }

</sc_bundles>
